<compile_context>
chip_gen: v7x
topology: tpu7x:2x2x1
jax: 0.10.2.dev20260603
libtpu: 0.0.44.dev20260713+nightly
codegen_flags: <defaults>
</compile_context>

<pallas_src>
import jax
import jax.numpy as jnp
from jax import lax
from jax.experimental import pallas as pl
from jax.experimental.pallas import tpu as pltpu
from jax.experimental.pallas import tpu_sc as plsc

VOCAB = 1_000_000
D = 64
B = 16384
S = 50
SPAD = 56
DPAD = 128
NC, NS = 2, 16
NW = NC * NS
RPW = B // NW
NBUF = 8
T = RPW // NBUF


def _body(idx_hbm, table_hbm, out_hbm, idx_v, buf_v, gsem, ssem):
    wid = lax.axis_index("s") * NC + lax.axis_index("c")
    pltpu.sync_copy(idx_hbm.at[pl.ds(wid * RPW, RPW)], idx_v)
    base = wid * RPW

    def gather_row(j, b):
        return pltpu.async_copy(
            table_hbm.at[idx_v.at[j]], buf_v.at[b], gsem.at[b])

    def scatter_row(j, b):
        pltpu.async_copy(
            buf_v.at[b],
            out_hbm.at[pl.ds((base + j) * SPAD, S), pl.ds(0, D)],
            ssem.at[b])

    def fire_gathers(t, drain_prev):
        descs = []
        for b in range(NBUF):
            if drain_prev:
                pltpu.make_async_copy(
                    buf_v.at[b],
                    out_hbm.at[pl.ds(base * SPAD, S), pl.ds(0, D)],
                    ssem.at[b]).wait()
            descs.append(gather_row(t * NBUF + b, b))
        return descs

    def drain_and_scatter(t, gdescs):
        for b in range(NBUF):
            gdescs[b].wait()
            scatter_row(t * NBUF + b, b)

    gdescs = fire_gathers(0, drain_prev=False)
    drain_and_scatter(0, gdescs)

    @pl.loop(1, T)
    def _cycle(t):
        gd = fire_gathers(t, drain_prev=True)
        drain_and_scatter(t, gd)

    for b in range(NBUF):
        pltpu.make_async_copy(
            buf_v.at[b],
            out_hbm.at[pl.ds(base * SPAD, S), pl.ds(0, D)],
            ssem.at[b]).wait()


@jax.jit
def _embed(token_ids, weight):
    mesh = plsc.VectorSubcoreMesh(core_axis_name="c", subcore_axis_name="s")
    return pl.kernel(
        _body,
        out_type=jax.ShapeDtypeStruct((B * SPAD, DPAD), jnp.float32),
        mesh=mesh,
        scratch_types=[
            pltpu.VMEM((RPW, S), jnp.int32),
            pltpu.VMEM((NBUF, S, D), jnp.float32),
            pltpu.SemaphoreType.DMA((NBUF,)),
            pltpu.SemaphoreType.DMA((NBUF,)),
        ],
        compiler_params=pltpu.CompilerParams(use_tc_tiling_on_sc=False),
    )(token_ids, weight)


def kernel(token_ids, weight):
    if token_ids.dtype != jnp.int32:
        token_ids = token_ids.astype(jnp.int32)
    out_p = _embed(token_ids, weight)
    return out_p.reshape(B, SPAD, DPAD)[:, :S, :D]

# --- scband reference (transcript-rebuilt; emitter-appended) ---
"""Pipeline reference for scband-embedding-80032420594408 (READ-ONLY COPY).

The authoritative reference and input builder live on the scoring server;
editing this copy changes nothing except your own understanding.
"""

import jax, jax.numpy as jnp
import numpy as np

VOCAB_SIZE = 1000000
D_MODEL = 64


def setup_inputs(seed: int = 0) -> dict:
    key = jax.random.key(seed)
    k_idx, k_w = jax.random.split(key)
    token_ids = jax.random.randint(k_idx, (16384, 50), 0, VOCAB_SIZE, dtype=jnp.int64 if jax.config.jax_enable_x64 else jnp.int32)
    # truncated normal init with std=1.0, bounds [-3, 3]
    weight = jax.random.truncated_normal(k_w, -3.0, 3.0, (VOCAB_SIZE, D_MODEL), dtype=jnp.float32)
    return {"token_ids": token_ids, "weight": weight}


def reference(token_ids, weight):
    # Embedding lookup: weight[token_ids, :]
    return jnp.take(weight, token_ids, axis=0)

if __name__ == "__main__":
    import jax
    _d = setup_inputs()
    print(jax.jit(kernel)(*tuple(_d.values())))

</pallas_src>

<mosaic_0001>
#map = affine_map<(d0, d1) -> (0, 0)>
module attributes {stable_mosaic.version = 14 : i64} {
  func.func @_body(%arg0: i32, %arg1: i32, %arg2: memref<16384x50xi32, #tpu.memory_space<hbm>>, %arg3: memref<1000000x64xf32, #tpu.memory_space<hbm>>, %arg4: memref<917504x128xf32, #tpu.memory_space<hbm>>, %arg5: memref<512x50xi32, #tpu.memory_space<vmem>>, %arg6: memref<8x50x64xf32, #tpu.memory_space<vmem>>, %arg7: memref<8x!tpu.dma_semaphore, #tpu.memory_space<semaphore_mem>>, %arg8: memref<8x!tpu.dma_semaphore, #tpu.memory_space<semaphore_mem>>) attributes {dimension_semantics = [#tpu.dimension_semantics<core_parallel>, #tpu.dimension_semantics<subcore_parallel>], iteration_bounds = array<i64: 2, 16>, scalar_prefetch = 0 : i64, scratch_operands = 4 : i64, tpu.core_type = #tpu.core_type<sc_vector_subcore>, window_params = [{transform_indices = #map}, {transform_indices = #map}, {transform_indices = #map}]} {
    %mul3A = arith.constant 2 : i32
    %mul3A_0 = arith.muli %arg1, %mul3A : i32
    %add3A = arith.addi %mul3A_0, %arg0 : i32
    %mul3A_1 = arith.constant 512 : i32
    %mul3A_2 = arith.muli %add3A, %mul3A_1 : i32
    "tpu.region"() ({
      %run_scoped3A = tpu.sem_alloc : memref<!tpu.dma_semaphore, #tpu.memory_space<semaphore_mem>>
      %dma_start3A_551 = arith.constant 0 : i32
      %dma_start3A_552 = tpu.memref_slice %arg2[%mul3A_2, %dma_start3A_551] : memref<16384x50xi32, #tpu.memory_space<hbm>> -> memref<512x50xi32, #tpu.memory_space<hbm>>
      %dma_start3A_553 = arith.constant 0 : i32
      %dma_start3A_554 = tpu.memref_slice %arg2[%mul3A_2, %dma_start3A_553] : memref<16384x50xi32, #tpu.memory_space<hbm>> -> memref<512x50xi32, #tpu.memory_space<hbm>>
      tpu.enqueue_dma source(%dma_start3A_554 : memref<512x50xi32, #tpu.memory_space<hbm>>) target(%arg5 : memref<512x50xi32, #tpu.memory_space<vmem>>) target_semaphore(%run_scoped3A : memref<!tpu.dma_semaphore, #tpu.memory_space<semaphore_mem>>)
      %dma_wait3A_555 = arith.constant 0 : i32
      %dma_wait3A_556 = tpu.memref_slice %arg2[%mul3A_2, %dma_wait3A_555] : memref<16384x50xi32, #tpu.memory_space<hbm>> -> memref<512x50xi32, #tpu.memory_space<hbm>>
      %dma_wait3A_557 = arith.constant 0 : i32
      %dma_wait3A_558 = tpu.memref_slice %arg2[%mul3A_2, %dma_wait3A_557] : memref<16384x50xi32, #tpu.memory_space<hbm>> -> memref<512x50xi32, #tpu.memory_space<hbm>>
      tpu.wait_dma2 semaphore(%run_scoped3A : memref<!tpu.dma_semaphore, #tpu.memory_space<semaphore_mem>>) src(%dma_wait3A_558 : memref<512x50xi32, #tpu.memory_space<hbm>>) dst(%arg5 : memref<512x50xi32, #tpu.memory_space<vmem>>)
      tpu.yield
    }) : () -> ()
    %mul3A_3 = arith.constant 512 : i32
    %mul3A_4 = arith.muli %add3A, %mul3A_3 : i32
    %dma_start3A = arith.constant 0 : i32
    %dma_start3A_5 = arith.constant 0 : i32
    %dma_start3A_6 = arith.constant 0 : i32
    %dma_start3A_7 = arith.constant 0 : i32
    %dma_start3A_8 = arith.constant 0 : i32
    %dma_start3A_9 = tpu.memref_slice %arg6[%dma_start3A_5, %dma_start3A_7, %dma_start3A_8] : memref<8x50x64xf32, #tpu.memory_space<vmem>> -> memref<1x50x64xf32, #tpu.memory_space<vmem>>
    %dma_start3A_10 = tpu.memref_squeeze %dma_start3A_9 : memref<1x50x64xf32, #tpu.memory_space<vmem>> -> memref<50x64xf32, #tpu.memory_space<vmem>>
    %dma_start3A_11 = arith.constant 0 : i32
    %dma_start3A_12 = tpu.memref_slice %arg5[%dma_start3A, %dma_start3A_11] : memref<512x50xi32, #tpu.memory_space<vmem>> -> memref<1x50xi32, #tpu.memory_space<vmem>>
    %dma_start3A_13 = tpu.memref_squeeze %dma_start3A_12 : memref<1x50xi32, #tpu.memory_space<vmem>> -> memref<50xi32, #tpu.memory_space<vmem>>
    %dma_start3A_14 = arith.constant 0 : i32
    %dma_start3A_15 = arith.constant 0 : i32
    %dma_start3A_16 = tpu.memref_slice %arg3[%dma_start3A_14, %dma_start3A_15] : memref<1000000x64xf32, #tpu.memory_space<hbm>> -> memref<1000000x64xf32, #tpu.memory_space<hbm>>
    %dma_start3A_17 = tpu.memref_slice %arg7[%dma_start3A_6] : memref<8x!tpu.dma_semaphore, #tpu.memory_space<semaphore_mem>> -> memref<1x!tpu.dma_semaphore, #tpu.memory_space<semaphore_mem>>
    %dma_start3A_18 = tpu.memref_squeeze %dma_start3A_17 : memref<1x!tpu.dma_semaphore, #tpu.memory_space<semaphore_mem>> -> memref<!tpu.dma_semaphore, #tpu.memory_space<semaphore_mem>>
    tpu.enqueue_indirect_dma source(%dma_start3A_16 : memref<1000000x64xf32, #tpu.memory_space<hbm>>) target(%dma_start3A_10 : memref<50x64xf32, #tpu.memory_space<vmem>>) offsets(%dma_start3A_13 : memref<50xi32, #tpu.memory_space<vmem>>) semaphore(%dma_start3A_18 : memref<!tpu.dma_semaphore, #tpu.memory_space<semaphore_mem>>)
    %dma_start3A_19 = arith.constant 1 : i32
    %dma_start3A_20 = arith.constant 1 : i32
    %dma_start3A_21 = arith.constant 1 : i32
    %dma_start3A_22 = arith.constant 0 : i32
    %dma_start3A_23 = arith.constant 0 : i32
    %dma_start3A_24 = tpu.memref_slice %arg6[%dma_start3A_20, %dma_start3A_22, %dma_start3A_23] : memref<8x50x64xf32, #tpu.memory_space<vmem>> -> memref<1x50x64xf32, #tpu.memory_space<vmem>>
    %dma_start3A_25 = tpu.memref_squeeze %dma_start3A_24 : memref<1x50x64xf32, #tpu.memory_space<vmem>> -> memref<50x64xf32, #tpu.memory_space<vmem>>
    %dma_start3A_26 = arith.constant 0 : i32
    %dma_start3A_27 = tpu.memref_slice %arg5[%dma_start3A_19, %dma_start3A_26] : memref<512x50xi32, #tpu.memory_space<vmem>> -> memref<1x50xi32, #tpu.memory_space<vmem>>
    %dma_start3A_28 = tpu.memref_squeeze %dma_start3A_27 : memref<1x50xi32, #tpu.memory_space<vmem>> -> memref<50xi32, #tpu.memory_space<vmem>>
    %dma_start3A_29 = arith.constant 0 : i32
    %dma_start3A_30 = arith.constant 0 : i32
    %dma_start3A_31 = tpu.memref_slice %arg3[%dma_start3A_29, %dma_start3A_30] : memref<1000000x64xf32, #tpu.memory_space<hbm>> -> memref<1000000x64xf32, #tpu.memory_space<hbm>>
    %dma_start3A_32 = tpu.memref_slice %arg7[%dma_start3A_21] : memref<8x!tpu.dma_semaphore, #tpu.memory_space<semaphore_mem>> -> memref<1x!tpu.dma_semaphore, #tpu.memory_space<semaphore_mem>>
    %dma_start3A_33 = tpu.memref_squeeze %dma_start3A_32 : memref<1x!tpu.dma_semaphore, #tpu.memory_space<semaphore_mem>> -> memref<!tpu.dma_semaphore, #tpu.memory_space<semaphore_mem>>
    tpu.enqueue_indirect_dma source(%dma_start3A_31 : memref<1000000x64xf32, #tpu.memory_space<hbm>>) target(%dma_start3A_25 : memref<50x64xf32, #tpu.memory_space<vmem>>) offsets(%dma_start3A_28 : memref<50xi32, #tpu.memory_space<vmem>>) semaphore(%dma_start3A_33 : memref<!tpu.dma_semaphore, #tpu.memory_space<semaphore_mem>>)
    %dma_start3A_34 = arith.constant 2 : i32
    %dma_start3A_35 = arith.constant 2 : i32
    %dma_start3A_36 = arith.constant 2 : i32
    %dma_start3A_37 = arith.constant 0 : i32
    %dma_start3A_38 = arith.constant 0 : i32
    %dma_start3A_39 = tpu.memref_slice %arg6[%dma_start3A_35, %dma_start3A_37, %dma_start3A_38] : memref<8x50x64xf32, #tpu.memory_space<vmem>> -> memref<1x50x64xf32, #tpu.memory_space<vmem>>
    %dma_start3A_40 = tpu.memref_squeeze %dma_start3A_39 : memref<1x50x64xf32, #tpu.memory_space<vmem>> -> memref<50x64xf32, #tpu.memory_space<vmem>>
    %dma_start3A_41 = arith.constant 0 : i32
    %dma_start3A_42 = tpu.memref_slice %arg5[%dma_start3A_34, %dma_start3A_41] : memref<512x50xi32, #tpu.memory_space<vmem>> -> memref<1x50xi32, #tpu.memory_space<vmem>>
    %dma_start3A_43 = tpu.memref_squeeze %dma_start3A_42 : memref<1x50xi32, #tpu.memory_space<vmem>> -> memref<50xi32, #tpu.memory_space<vmem>>
    %dma_start3A_44 = arith.constant 0 : i32
    %dma_start3A_45 = arith.constant 0 : i32
    %dma_start3A_46 = tpu.memref_slice %arg3[%dma_start3A_44, %dma_start3A_45] : memref<1000000x64xf32, #tpu.memory_space<hbm>> -> memref<1000000x64xf32, #tpu.memory_space<hbm>>
    %dma_start3A_47 = tpu.memref_slice %arg7[%dma_start3A_36] : memref<8x!tpu.dma_semaphore, #tpu.memory_space<semaphore_mem>> -> memref<1x!tpu.dma_semaphore, #tpu.memory_space<semaphore_mem>>
    %dma_start3A_48 = tpu.memref_squeeze %dma_start3A_47 : memref<1x!tpu.dma_semaphore, #tpu.memory_space<semaphore_mem>> -> memref<!tpu.dma_semaphore, #tpu.memory_space<semaphore_mem>>
    tpu.enqueue_indirect_dma source(%dma_start3A_46 : memref<1000000x64xf32, #tpu.memory_space<hbm>>) target(%dma_start3A_40 : memref<50x64xf32, #tpu.memory_space<vmem>>) offsets(%dma_start3A_43 : memref<50xi32, #tpu.memory_space<vmem>>) semaphore(%dma_start3A_48 : memref<!tpu.dma_semaphore, #tpu.memory_space<semaphore_mem>>)
    %dma_start3A_49 = arith.constant 3 : i32
    %dma_start3A_50 = arith.constant 3 : i32
    %dma_start3A_51 = arith.constant 3 : i32
    %dma_start3A_52 = arith.constant 0 : i32
    %dma_start3A_53 = arith.constant 0 : i32
    %dma_start3A_54 = tpu.memref_slice %arg6[%dma_start3A_50, %dma_start3A_52, %dma_start3A_53] : memref<8x50x64xf32, #tpu.memory_space<vmem>> -> memref<1x50x64xf32, #tpu.memory_space<vmem>>
    %dma_start3A_55 = tpu.memref_squeeze %dma_start3A_54 : memref<1x50x64xf32, #tpu.memory_space<vmem>> -> memref<50x64xf32, #tpu.memory_space<vmem>>
    %dma_start3A_56 = arith.constant 0 : i32
    %dma_start3A_57 = tpu.memref_slice %arg5[%dma_start3A_49, %dma_start3A_56] : memref<512x50xi32, #tpu.memory_space<vmem>> -> memref<1x50xi32, #tpu.memory_space<vmem>>
    %dma_start3A_58 = tpu.memref_squeeze %dma_start3A_57 : memref<1x50xi32, #tpu.memory_space<vmem>> -> memref<50xi32, #tpu.memory_space<vmem>>
    %dma_start3A_59 = arith.constant 0 : i32
    %dma_start3A_60 = arith.constant 0 : i32
    %dma_start3A_61 = tpu.memref_slice %arg3[%dma_start3A_59, %dma_start3A_60] : memref<1000000x64xf32, #tpu.memory_space<hbm>> -> memref<1000000x64xf32, #tpu.memory_space<hbm>>
    %dma_start3A_62 = tpu.memref_slice %arg7[%dma_start3A_51] : memref<8x!tpu.dma_semaphore, #tpu.memory_space<semaphore_mem>> -> memref<1x!tpu.dma_semaphore, #tpu.memory_space<semaphore_mem>>
    %dma_start3A_63 = tpu.memref_squeeze %dma_start3A_62 : memref<1x!tpu.dma_semaphore, #tpu.memory_space<semaphore_mem>> -> memref<!tpu.dma_semaphore, #tpu.memory_space<semaphore_mem>>
    tpu.enqueue_indirect_dma source(%dma_start3A_61 : memref<1000000x64xf32, #tpu.memory_space<hbm>>) target(%dma_start3A_55 : memref<50x64xf32, #tpu.memory_space<vmem>>) offsets(%dma_start3A_58 : memref<50xi32, #tpu.memory_space<vmem>>) semaphore(%dma_start3A_63 : memref<!tpu.dma_semaphore, #tpu.memory_space<semaphore_mem>>)
    %dma_start3A_64 = arith.constant 4 : i32
    %dma_start3A_65 = arith.constant 4 : i32
    %dma_start3A_66 = arith.constant 4 : i32
    %dma_start3A_67 = arith.constant 0 : i32
    %dma_start3A_68 = arith.constant 0 : i32
    %dma_start3A_69 = tpu.memref_slice %arg6[%dma_start3A_65, %dma_start3A_67, %dma_start3A_68] : memref<8x50x64xf32, #tpu.memory_space<vmem>> -> memref<1x50x64xf32, #tpu.memory_space<vmem>>
    %dma_start3A_70 = tpu.memref_squeeze %dma_start3A_69 : memref<1x50x64xf32, #tpu.memory_space<vmem>> -> memref<50x64xf32, #tpu.memory_space<vmem>>
    %dma_start3A_71 = arith.constant 0 : i32
    %dma_start3A_72 = tpu.memref_slice %arg5[%dma_start3A_64, %dma_start3A_71] : memref<512x50xi32, #tpu.memory_space<vmem>> -> memref<1x50xi32, #tpu.memory_space<vmem>>
    %dma_start3A_73 = tpu.memref_squeeze %dma_start3A_72 : memref<1x50xi32, #tpu.memory_space<vmem>> -> memref<50xi32, #tpu.memory_space<vmem>>
    %dma_start3A_74 = arith.constant 0 : i32
    %dma_start3A_75 = arith.constant 0 : i32
    %dma_start3A_76 = tpu.memref_slice %arg3[%dma_start3A_74, %dma_start3A_75] : memref<1000000x64xf32, #tpu.memory_space<hbm>> -> memref<1000000x64xf32, #tpu.memory_space<hbm>>
    %dma_start3A_77 = tpu.memref_slice %arg7[%dma_start3A_66] : memref<8x!tpu.dma_semaphore, #tpu.memory_space<semaphore_mem>> -> memref<1x!tpu.dma_semaphore, #tpu.memory_space<semaphore_mem>>
    %dma_start3A_78 = tpu.memref_squeeze %dma_start3A_77 : memref<1x!tpu.dma_semaphore, #tpu.memory_space<semaphore_mem>> -> memref<!tpu.dma_semaphore, #tpu.memory_space<semaphore_mem>>
    tpu.enqueue_indirect_dma source(%dma_start3A_76 : memref<1000000x64xf32, #tpu.memory_space<hbm>>) target(%dma_start3A_70 : memref<50x64xf32, #tpu.memory_space<vmem>>) offsets(%dma_start3A_73 : memref<50xi32, #tpu.memory_space<vmem>>) semaphore(%dma_start3A_78 : memref<!tpu.dma_semaphore, #tpu.memory_space<semaphore_mem>>)
    %dma_start3A_79 = arith.constant 5 : i32
    %dma_start3A_80 = arith.constant 5 : i32
    %dma_start3A_81 = arith.constant 5 : i32
    %dma_start3A_82 = arith.constant 0 : i32
    %dma_start3A_83 = arith.constant 0 : i32
    %dma_start3A_84 = tpu.memref_slice %arg6[%dma_start3A_80, %dma_start3A_82, %dma_start3A_83] : memref<8x50x64xf32, #tpu.memory_space<vmem>> -> memref<1x50x64xf32, #tpu.memory_space<vmem>>
    %dma_start3A_85 = tpu.memref_squeeze %dma_start3A_84 : memref<1x50x64xf32, #tpu.memory_space<vmem>> -> memref<50x64xf32, #tpu.memory_space<vmem>>
    %dma_start3A_86 = arith.constant 0 : i32
    %dma_start3A_87 = tpu.memref_slice %arg5[%dma_start3A_79, %dma_start3A_86] : memref<512x50xi32, #tpu.memory_space<vmem>> -> memref<1x50xi32, #tpu.memory_space<vmem>>
    %dma_start3A_88 = tpu.memref_squeeze %dma_start3A_87 : memref<1x50xi32, #tpu.memory_space<vmem>> -> memref<50xi32, #tpu.memory_space<vmem>>
    %dma_start3A_89 = arith.constant 0 : i32
    %dma_start3A_90 = arith.constant 0 : i32
    %dma_start3A_91 = tpu.memref_slice %arg3[%dma_start3A_89, %dma_start3A_90] : memref<1000000x64xf32, #tpu.memory_space<hbm>> -> memref<1000000x64xf32, #tpu.memory_space<hbm>>
    %dma_start3A_92 = tpu.memref_slice %arg7[%dma_start3A_81] : memref<8x!tpu.dma_semaphore, #tpu.memory_space<semaphore_mem>> -> memref<1x!tpu.dma_semaphore, #tpu.memory_space<semaphore_mem>>
    %dma_start3A_93 = tpu.memref_squeeze %dma_start3A_92 : memref<1x!tpu.dma_semaphore, #tpu.memory_space<semaphore_mem>> -> memref<!tpu.dma_semaphore, #tpu.memory_space<semaphore_mem>>
    tpu.enqueue_indirect_dma source(%dma_start3A_91 : memref<1000000x64xf32, #tpu.memory_space<hbm>>) target(%dma_start3A_85 : memref<50x64xf32, #tpu.memory_space<vmem>>) offsets(%dma_start3A_88 : memref<50xi32, #tpu.memory_space<vmem>>) semaphore(%dma_start3A_93 : memref<!tpu.dma_semaphore, #tpu.memory_space<semaphore_mem>>)
    %dma_start3A_94 = arith.constant 6 : i32
    %dma_start3A_95 = arith.constant 6 : i32
    %dma_start3A_96 = arith.constant 6 : i32
    %dma_start3A_97 = arith.constant 0 : i32
    %dma_start3A_98 = arith.constant 0 : i32
    %dma_start3A_99 = tpu.memref_slice %arg6[%dma_start3A_95, %dma_start3A_97, %dma_start3A_98] : memref<8x50x64xf32, #tpu.memory_space<vmem>> -> memref<1x50x64xf32, #tpu.memory_space<vmem>>
    %dma_start3A_100 = tpu.memref_squeeze %dma_start3A_99 : memref<1x50x64xf32, #tpu.memory_space<vmem>> -> memref<50x64xf32, #tpu.memory_space<vmem>>
    %dma_start3A_101 = arith.constant 0 : i32
    %dma_start3A_102 = tpu.memref_slice %arg5[%dma_start3A_94, %dma_start3A_101] : memref<512x50xi32, #tpu.memory_space<vmem>> -> memref<1x50xi32, #tpu.memory_space<vmem>>
    %dma_start3A_103 = tpu.memref_squeeze %dma_start3A_102 : memref<1x50xi32, #tpu.memory_space<vmem>> -> memref<50xi32, #tpu.memory_space<vmem>>
    %dma_start3A_104 = arith.constant 0 : i32
    %dma_start3A_105 = arith.constant 0 : i32
    %dma_start3A_106 = tpu.memref_slice %arg3[%dma_start3A_104, %dma_start3A_105] : memref<1000000x64xf32, #tpu.memory_space<hbm>> -> memref<1000000x64xf32, #tpu.memory_space<hbm>>
    %dma_start3A_107 = tpu.memref_slice %arg7[%dma_start3A_96] : memref<8x!tpu.dma_semaphore, #tpu.memory_space<semaphore_mem>> -> memref<1x!tpu.dma_semaphore, #tpu.memory_space<semaphore_mem>>
    %dma_start3A_108 = tpu.memref_squeeze %dma_start3A_107 : memref<1x!tpu.dma_semaphore, #tpu.memory_space<semaphore_mem>> -> memref<!tpu.dma_semaphore, #tpu.memory_space<semaphore_mem>>
    tpu.enqueue_indirect_dma source(%dma_start3A_106 : memref<1000000x64xf32, #tpu.memory_space<hbm>>) target(%dma_start3A_100 : memref<50x64xf32, #tpu.memory_space<vmem>>) offsets(%dma_start3A_103 : memref<50xi32, #tpu.memory_space<vmem>>) semaphore(%dma_start3A_108 : memref<!tpu.dma_semaphore, #tpu.memory_space<semaphore_mem>>)
    %dma_start3A_109 = arith.constant 7 : i32
    %dma_start3A_110 = arith.constant 7 : i32
    %dma_start3A_111 = arith.constant 7 : i32
    %dma_start3A_112 = arith.constant 0 : i32
    %dma_start3A_113 = arith.constant 0 : i32
    %dma_start3A_114 = tpu.memref_slice %arg6[%dma_start3A_110, %dma_start3A_112, %dma_start3A_113] : memref<8x50x64xf32, #tpu.memory_space<vmem>> -> memref<1x50x64xf32, #tpu.memory_space<vmem>>
    %dma_start3A_115 = tpu.memref_squeeze %dma_start3A_114 : memref<1x50x64xf32, #tpu.memory_space<vmem>> -> memref<50x64xf32, #tpu.memory_space<vmem>>
    %dma_start3A_116 = arith.constant 0 : i32
    %dma_start3A_117 = tpu.memref_slice %arg5[%dma_start3A_109, %dma_start3A_116] : memref<512x50xi32, #tpu.memory_space<vmem>> -> memref<1x50xi32, #tpu.memory_space<vmem>>
    %dma_start3A_118 = tpu.memref_squeeze %dma_start3A_117 : memref<1x50xi32, #tpu.memory_space<vmem>> -> memref<50xi32, #tpu.memory_space<vmem>>
    %dma_start3A_119 = arith.constant 0 : i32
    %dma_start3A_120 = arith.constant 0 : i32
    %dma_start3A_121 = tpu.memref_slice %arg3[%dma_start3A_119, %dma_start3A_120] : memref<1000000x64xf32, #tpu.memory_space<hbm>> -> memref<1000000x64xf32, #tpu.memory_space<hbm>>
    %dma_start3A_122 = tpu.memref_slice %arg7[%dma_start3A_111] : memref<8x!tpu.dma_semaphore, #tpu.memory_space<semaphore_mem>> -> memref<1x!tpu.dma_semaphore, #tpu.memory_space<semaphore_mem>>
    %dma_start3A_123 = tpu.memref_squeeze %dma_start3A_122 : memref<1x!tpu.dma_semaphore, #tpu.memory_space<semaphore_mem>> -> memref<!tpu.dma_semaphore, #tpu.memory_space<semaphore_mem>>
    tpu.enqueue_indirect_dma source(%dma_start3A_121 : memref<1000000x64xf32, #tpu.memory_space<hbm>>) target(%dma_start3A_115 : memref<50x64xf32, #tpu.memory_space<vmem>>) offsets(%dma_start3A_118 : memref<50xi32, #tpu.memory_space<vmem>>) semaphore(%dma_start3A_123 : memref<!tpu.dma_semaphore, #tpu.memory_space<semaphore_mem>>)
    %dma_wait3A = arith.constant 0 : i32
    %dma_wait3A_124 = arith.constant 0 : i32
    %dma_wait3A_125 = arith.constant 0 : i32
    %dma_wait3A_126 = arith.constant 0 : i32
    %dma_wait3A_127 = arith.constant 0 : i32
    %dma_wait3A_128 = tpu.memref_slice %arg6[%dma_wait3A_124, %dma_wait3A_126, %dma_wait3A_127] : memref<8x50x64xf32, #tpu.memory_space<vmem>> -> memref<1x50x64xf32, #tpu.memory_space<vmem>>
    %dma_wait3A_129 = tpu.memref_squeeze %dma_wait3A_128 : memref<1x50x64xf32, #tpu.memory_space<vmem>> -> memref<50x64xf32, #tpu.memory_space<vmem>>
    %dma_wait3A_130 = arith.constant 0 : i32
    %dma_wait3A_131 = tpu.memref_slice %arg5[%dma_wait3A, %dma_wait3A_130] : memref<512x50xi32, #tpu.memory_space<vmem>> -> memref<1x50xi32, #tpu.memory_space<vmem>>
    %dma_wait3A_132 = tpu.memref_squeeze %dma_wait3A_131 : memref<1x50xi32, #tpu.memory_space<vmem>> -> memref<50xi32, #tpu.memory_space<vmem>>
    %dma_wait3A_133 = arith.constant 0 : i32
    %dma_wait3A_134 = arith.constant 0 : i32
    %dma_wait3A_135 = tpu.memref_slice %arg3[%dma_wait3A_133, %dma_wait3A_134] : memref<1000000x64xf32, #tpu.memory_space<hbm>> -> memref<1000000x64xf32, #tpu.memory_space<hbm>>
    %dma_wait3A_136 = tpu.memref_slice %arg7[%dma_wait3A_125] : memref<8x!tpu.dma_semaphore, #tpu.memory_space<semaphore_mem>> -> memref<1x!tpu.dma_semaphore, #tpu.memory_space<semaphore_mem>>
    %dma_wait3A_137 = tpu.memref_squeeze %dma_wait3A_136 : memref<1x!tpu.dma_semaphore, #tpu.memory_space<semaphore_mem>> -> memref<!tpu.dma_semaphore, #tpu.memory_space<semaphore_mem>>
    tpu.wait_indirect_dma semaphore(%dma_wait3A_137 : memref<!tpu.dma_semaphore, #tpu.memory_space<semaphore_mem>>) src(%dma_wait3A_135 : memref<1000000x64xf32, #tpu.memory_space<hbm>>) dst(%dma_wait3A_129 : memref<50x64xf32, #tpu.memory_space<vmem>>)
    %add3A_138 = arith.constant 0 : i32
    %add3A_139 = arith.addi %mul3A_4, %add3A_138 : i32
    %mul3A_140 = arith.constant 56 : i32
    %mul3A_141 = arith.muli %add3A_139, %mul3A_140 : i32
    %dma_start3A_142 = arith.constant 0 : i32
    %dma_start3A_143 = arith.constant 0 : i32
    %dma_start3A_144 = arith.constant 0 : i32
    %dma_start3A_145 = arith.constant 0 : i32
    %dma_start3A_146 = tpu.memref_slice %arg6[%dma_start3A_142, %dma_start3A_144, %dma_start3A_145] : memref<8x50x64xf32, #tpu.memory_space<vmem>> -> memref<1x50x64xf32, #tpu.memory_space<vmem>>
    %dma_start3A_147 = tpu.memref_squeeze %dma_start3A_146 : memref<1x50x64xf32, #tpu.memory_space<vmem>> -> memref<50x64xf32, #tpu.memory_space<vmem>>
    %dma_start3A_148 = arith.constant 0 : i32
    %dma_start3A_149 = tpu.memref_slice %arg4[%mul3A_141, %dma_start3A_148] : memref<917504x128xf32, #tpu.memory_space<hbm>> -> memref<50x64xf32, #tpu.memory_space<hbm>>
    %dma_start3A_150 = tpu.memref_slice %arg8[%dma_start3A_143] : memref<8x!tpu.dma_semaphore, #tpu.memory_space<semaphore_mem>> -> memref<1x!tpu.dma_semaphore, #tpu.memory_space<semaphore_mem>>
    %dma_start3A_151 = tpu.memref_squeeze %dma_start3A_150 : memref<1x!tpu.dma_semaphore, #tpu.memory_space<semaphore_mem>> -> memref<!tpu.dma_semaphore, #tpu.memory_space<semaphore_mem>>
    %dma_start3A_152 = arith.constant 0 : i32
    %dma_start3A_153 = tpu.memref_slice %arg4[%mul3A_141, %dma_start3A_152] : memref<917504x128xf32, #tpu.memory_space<hbm>> -> memref<50x64xf32, #tpu.memory_space<hbm>>
    %dma_start3A_154 = arith.constant 0 : i32
    %dma_start3A_155 = arith.constant 0 : i32
    %dma_start3A_156 = tpu.memref_slice %arg6[%dma_start3A_142, %dma_start3A_154, %dma_start3A_155] : memref<8x50x64xf32, #tpu.memory_space<vmem>> -> memref<1x50x64xf32, #tpu.memory_space<vmem>>
    %dma_start3A_157 = tpu.memref_squeeze %dma_start3A_156 : memref<1x50x64xf32, #tpu.memory_space<vmem>> -> memref<50x64xf32, #tpu.memory_space<vmem>>
    tpu.enqueue_dma source(%dma_start3A_157 : memref<50x64xf32, #tpu.memory_space<vmem>>) target(%dma_start3A_153 : memref<50x64xf32, #tpu.memory_space<hbm>>) target_semaphore(%dma_start3A_151 : memref<!tpu.dma_semaphore, #tpu.memory_space<semaphore_mem>>)
    %dma_wait3A_158 = arith.constant 1 : i32
    %dma_wait3A_159 = arith.constant 1 : i32
    %dma_wait3A_160 = arith.constant 1 : i32
    %dma_wait3A_161 = arith.constant 0 : i32
    %dma_wait3A_162 = arith.constant 0 : i32
    %dma_wait3A_163 = tpu.memref_slice %arg6[%dma_wait3A_159, %dma_wait3A_161, %dma_wait3A_162] : memref<8x50x64xf32, #tpu.memory_space<vmem>> -> memref<1x50x64xf32, #tpu.memory_space<vmem>>
    %dma_wait3A_164 = tpu.memref_squeeze %dma_wait3A_163 : memref<1x50x64xf32, #tpu.memory_space<vmem>> -> memref<50x64xf32, #tpu.memory_space<vmem>>
    %dma_wait3A_165 = arith.constant 0 : i32
    %dma_wait3A_166 = tpu.memref_slice %arg5[%dma_wait3A_158, %dma_wait3A_165] : memref<512x50xi32, #tpu.memory_space<vmem>> -> memref<1x50xi32, #tpu.memory_space<vmem>>
    %dma_wait3A_167 = tpu.memref_squeeze %dma_wait3A_166 : memref<1x50xi32, #tpu.memory_space<vmem>> -> memref<50xi32, #tpu.memory_space<vmem>>
    %dma_wait3A_168 = arith.constant 0 : i32
    %dma_wait3A_169 = arith.constant 0 : i32
    %dma_wait3A_170 = tpu.memref_slice %arg3[%dma_wait3A_168, %dma_wait3A_169] : memref<1000000x64xf32, #tpu.memory_space<hbm>> -> memref<1000000x64xf32, #tpu.memory_space<hbm>>
    %dma_wait3A_171 = tpu.memref_slice %arg7[%dma_wait3A_160] : memref<8x!tpu.dma_semaphore, #tpu.memory_space<semaphore_mem>> -> memref<1x!tpu.dma_semaphore, #tpu.memory_space<semaphore_mem>>
    %dma_wait3A_172 = tpu.memref_squeeze %dma_wait3A_171 : memref<1x!tpu.dma_semaphore, #tpu.memory_space<semaphore_mem>> -> memref<!tpu.dma_semaphore, #tpu.memory_space<semaphore_mem>>
    tpu.wait_indirect_dma semaphore(%dma_wait3A_172 : memref<!tpu.dma_semaphore, #tpu.memory_space<semaphore_mem>>) src(%dma_wait3A_170 : memref<1000000x64xf32, #tpu.memory_space<hbm>>) dst(%dma_wait3A_164 : memref<50x64xf32, #tpu.memory_space<vmem>>)
    %add3A_173 = arith.constant 1 : i32
    %add3A_174 = arith.addi %mul3A_4, %add3A_173 : i32
    %mul3A_175 = arith.constant 56 : i32
    %mul3A_176 = arith.muli %add3A_174, %mul3A_175 : i32
    %dma_start3A_177 = arith.constant 1 : i32
    %dma_start3A_178 = arith.constant 1 : i32
    %dma_start3A_179 = arith.constant 0 : i32
    %dma_start3A_180 = arith.constant 0 : i32
    %dma_start3A_181 = tpu.memref_slice %arg6[%dma_start3A_177, %dma_start3A_179, %dma_start3A_180] : memref<8x50x64xf32, #tpu.memory_space<vmem>> -> memref<1x50x64xf32, #tpu.memory_space<vmem>>
    %dma_start3A_182 = tpu.memref_squeeze %dma_start3A_181 : memref<1x50x64xf32, #tpu.memory_space<vmem>> -> memref<50x64xf32, #tpu.memory_space<vmem>>
    %dma_start3A_183 = arith.constant 0 : i32
    %dma_start3A_184 = tpu.memref_slice %arg4[%mul3A_176, %dma_start3A_183] : memref<917504x128xf32, #tpu.memory_space<hbm>> -> memref<50x64xf32, #tpu.memory_space<hbm>>
    %dma_start3A_185 = tpu.memref_slice %arg8[%dma_start3A_178] : memref<8x!tpu.dma_semaphore, #tpu.memory_space<semaphore_mem>> -> memref<1x!tpu.dma_semaphore, #tpu.memory_space<semaphore_mem>>
    %dma_start3A_186 = tpu.memref_squeeze %dma_start3A_185 : memref<1x!tpu.dma_semaphore, #tpu.memory_space<semaphore_mem>> -> memref<!tpu.dma_semaphore, #tpu.memory_space<semaphore_mem>>
    %dma_start3A_187 = arith.constant 0 : i32
    %dma_start3A_188 = tpu.memref_slice %arg4[%mul3A_176, %dma_start3A_187] : memref<917504x128xf32, #tpu.memory_space<hbm>> -> memref<50x64xf32, #tpu.memory_space<hbm>>
    %dma_start3A_189 = arith.constant 0 : i32
    %dma_start3A_190 = arith.constant 0 : i32
    %dma_start3A_191 = tpu.memref_slice %arg6[%dma_start3A_177, %dma_start3A_189, %dma_start3A_190] : memref<8x50x64xf32, #tpu.memory_space<vmem>> -> memref<1x50x64xf32, #tpu.memory_space<vmem>>
    %dma_start3A_192 = tpu.memref_squeeze %dma_start3A_191 : memref<1x50x64xf32, #tpu.memory_space<vmem>> -> memref<50x64xf32, #tpu.memory_space<vmem>>
    tpu.enqueue_dma source(%dma_start3A_192 : memref<50x64xf32, #tpu.memory_space<vmem>>) target(%dma_start3A_188 : memref<50x64xf32, #tpu.memory_space<hbm>>) target_semaphore(%dma_start3A_186 : memref<!tpu.dma_semaphore, #tpu.memory_space<semaphore_mem>>)
    %dma_wait3A_193 = arith.constant 2 : i32
    %dma_wait3A_194 = arith.constant 2 : i32
    %dma_wait3A_195 = arith.constant 2 : i32
    %dma_wait3A_196 = arith.constant 0 : i32
    %dma_wait3A_197 = arith.constant 0 : i32
    %dma_wait3A_198 = tpu.memref_slice %arg6[%dma_wait3A_194, %dma_wait3A_196, %dma_wait3A_197] : memref<8x50x64xf32, #tpu.memory_space<vmem>> -> memref<1x50x64xf32, #tpu.memory_space<vmem>>
    %dma_wait3A_199 = tpu.memref_squeeze %dma_wait3A_198 : memref<1x50x64xf32, #tpu.memory_space<vmem>> -> memref<50x64xf32, #tpu.memory_space<vmem>>
    %dma_wait3A_200 = arith.constant 0 : i32
    %dma_wait3A_201 = tpu.memref_slice %arg5[%dma_wait3A_193, %dma_wait3A_200] : memref<512x50xi32, #tpu.memory_space<vmem>> -> memref<1x50xi32, #tpu.memory_space<vmem>>
    %dma_wait3A_202 = tpu.memref_squeeze %dma_wait3A_201 : memref<1x50xi32, #tpu.memory_space<vmem>> -> memref<50xi32, #tpu.memory_space<vmem>>
    %dma_wait3A_203 = arith.constant 0 : i32
    %dma_wait3A_204 = arith.constant 0 : i32
    %dma_wait3A_205 = tpu.memref_slice %arg3[%dma_wait3A_203, %dma_wait3A_204] : memref<1000000x64xf32, #tpu.memory_space<hbm>> -> memref<1000000x64xf32, #tpu.memory_space<hbm>>
    %dma_wait3A_206 = tpu.memref_slice %arg7[%dma_wait3A_195] : memref<8x!tpu.dma_semaphore, #tpu.memory_space<semaphore_mem>> -> memref<1x!tpu.dma_semaphore, #tpu.memory_space<semaphore_mem>>
    %dma_wait3A_207 = tpu.memref_squeeze %dma_wait3A_206 : memref<1x!tpu.dma_semaphore, #tpu.memory_space<semaphore_mem>> -> memref<!tpu.dma_semaphore, #tpu.memory_space<semaphore_mem>>
    tpu.wait_indirect_dma semaphore(%dma_wait3A_207 : memref<!tpu.dma_semaphore, #tpu.memory_space<semaphore_mem>>) src(%dma_wait3A_205 : memref<1000000x64xf32, #tpu.memory_space<hbm>>) dst(%dma_wait3A_199 : memref<50x64xf32, #tpu.memory_space<vmem>>)
    %add3A_208 = arith.constant 2 : i32
    %add3A_209 = arith.addi %mul3A_4, %add3A_208 : i32
    %mul3A_210 = arith.constant 56 : i32
    %mul3A_211 = arith.muli %add3A_209, %mul3A_210 : i32
    %dma_start3A_212 = arith.constant 2 : i32
    %dma_start3A_213 = arith.constant 2 : i32
    %dma_start3A_214 = arith.constant 0 : i32
    %dma_start3A_215 = arith.constant 0 : i32
    %dma_start3A_216 = tpu.memref_slice %arg6[%dma_start3A_212, %dma_start3A_214, %dma_start3A_215] : memref<8x50x64xf32, #tpu.memory_space<vmem>> -> memref<1x50x64xf32, #tpu.memory_space<vmem>>
    %dma_start3A_217 = tpu.memref_squeeze %dma_start3A_216 : memref<1x50x64xf32, #tpu.memory_space<vmem>> -> memref<50x64xf32, #tpu.memory_space<vmem>>
    %dma_start3A_218 = arith.constant 0 : i32
    %dma_start3A_219 = tpu.memref_slice %arg4[%mul3A_211, %dma_start3A_218] : memref<917504x128xf32, #tpu.memory_space<hbm>> -> memref<50x64xf32, #tpu.memory_space<hbm>>
    %dma_start3A_220 = tpu.memref_slice %arg8[%dma_start3A_213] : memref<8x!tpu.dma_semaphore, #tpu.memory_space<semaphore_mem>> -> memref<1x!tpu.dma_semaphore, #tpu.memory_space<semaphore_mem>>
    %dma_start3A_221 = tpu.memref_squeeze %dma_start3A_220 : memref<1x!tpu.dma_semaphore, #tpu.memory_space<semaphore_mem>> -> memref<!tpu.dma_semaphore, #tpu.memory_space<semaphore_mem>>
    %dma_start3A_222 = arith.constant 0 : i32
    %dma_start3A_223 = tpu.memref_slice %arg4[%mul3A_211, %dma_start3A_222] : memref<917504x128xf32, #tpu.memory_space<hbm>> -> memref<50x64xf32, #tpu.memory_space<hbm>>
    %dma_start3A_224 = arith.constant 0 : i32
    %dma_start3A_225 = arith.constant 0 : i32
    %dma_start3A_226 = tpu.memref_slice %arg6[%dma_start3A_212, %dma_start3A_224, %dma_start3A_225] : memref<8x50x64xf32, #tpu.memory_space<vmem>> -> memref<1x50x64xf32, #tpu.memory_space<vmem>>
    %dma_start3A_227 = tpu.memref_squeeze %dma_start3A_226 : memref<1x50x64xf32, #tpu.memory_space<vmem>> -> memref<50x64xf32, #tpu.memory_space<vmem>>
    tpu.enqueue_dma source(%dma_start3A_227 : memref<50x64xf32, #tpu.memory_space<vmem>>) target(%dma_start3A_223 : memref<50x64xf32, #tpu.memory_space<hbm>>) target_semaphore(%dma_start3A_221 : memref<!tpu.dma_semaphore, #tpu.memory_space<semaphore_mem>>)
    %dma_wait3A_228 = arith.constant 3 : i32
    %dma_wait3A_229 = arith.constant 3 : i32
    %dma_wait3A_230 = arith.constant 3 : i32
    %dma_wait3A_231 = arith.constant 0 : i32
    %dma_wait3A_232 = arith.constant 0 : i32
    %dma_wait3A_233 = tpu.memref_slice %arg6[%dma_wait3A_229, %dma_wait3A_231, %dma_wait3A_232] : memref<8x50x64xf32, #tpu.memory_space<vmem>> -> memref<1x50x64xf32, #tpu.memory_space<vmem>>
    %dma_wait3A_234 = tpu.memref_squeeze %dma_wait3A_233 : memref<1x50x64xf32, #tpu.memory_space<vmem>> -> memref<50x64xf32, #tpu.memory_space<vmem>>
    %dma_wait3A_235 = arith.constant 0 : i32
    %dma_wait3A_236 = tpu.memref_slice %arg5[%dma_wait3A_228, %dma_wait3A_235] : memref<512x50xi32, #tpu.memory_space<vmem>> -> memref<1x50xi32, #tpu.memory_space<vmem>>
    %dma_wait3A_237 = tpu.memref_squeeze %dma_wait3A_236 : memref<1x50xi32, #tpu.memory_space<vmem>> -> memref<50xi32, #tpu.memory_space<vmem>>
    %dma_wait3A_238 = arith.constant 0 : i32
    %dma_wait3A_239 = arith.constant 0 : i32
    %dma_wait3A_240 = tpu.memref_slice %arg3[%dma_wait3A_238, %dma_wait3A_239] : memref<1000000x64xf32, #tpu.memory_space<hbm>> -> memref<1000000x64xf32, #tpu.memory_space<hbm>>
    %dma_wait3A_241 = tpu.memref_slice %arg7[%dma_wait3A_230] : memref<8x!tpu.dma_semaphore, #tpu.memory_space<semaphore_mem>> -> memref<1x!tpu.dma_semaphore, #tpu.memory_space<semaphore_mem>>
    %dma_wait3A_242 = tpu.memref_squeeze %dma_wait3A_241 : memref<1x!tpu.dma_semaphore, #tpu.memory_space<semaphore_mem>> -> memref<!tpu.dma_semaphore, #tpu.memory_space<semaphore_mem>>
    tpu.wait_indirect_dma semaphore(%dma_wait3A_242 : memref<!tpu.dma_semaphore, #tpu.memory_space<semaphore_mem>>) src(%dma_wait3A_240 : memref<1000000x64xf32, #tpu.memory_space<hbm>>) dst(%dma_wait3A_234 : memref<50x64xf32, #tpu.memory_space<vmem>>)
    %add3A_243 = arith.constant 3 : i32
    %add3A_244 = arith.addi %mul3A_4, %add3A_243 : i32
    %mul3A_245 = arith.constant 56 : i32
    %mul3A_246 = arith.muli %add3A_244, %mul3A_245 : i32
    %dma_start3A_247 = arith.constant 3 : i32
    %dma_start3A_248 = arith.constant 3 : i32
    %dma_start3A_249 = arith.constant 0 : i32
    %dma_start3A_250 = arith.constant 0 : i32
    %dma_start3A_251 = tpu.memref_slice %arg6[%dma_start3A_247, %dma_start3A_249, %dma_start3A_250] : memref<8x50x64xf32, #tpu.memory_space<vmem>> -> memref<1x50x64xf32, #tpu.memory_space<vmem>>
    %dma_start3A_252 = tpu.memref_squeeze %dma_start3A_251 : memref<1x50x64xf32, #tpu.memory_space<vmem>> -> memref<50x64xf32, #tpu.memory_space<vmem>>
    %dma_start3A_253 = arith.constant 0 : i32
    %dma_start3A_254 = tpu.memref_slice %arg4[%mul3A_246, %dma_start3A_253] : memref<917504x128xf32, #tpu.memory_space<hbm>> -> memref<50x64xf32, #tpu.memory_space<hbm>>
    %dma_start3A_255 = tpu.memref_slice %arg8[%dma_start3A_248] : memref<8x!tpu.dma_semaphore, #tpu.memory_space<semaphore_mem>> -> memref<1x!tpu.dma_semaphore, #tpu.memory_space<semaphore_mem>>
    %dma_start3A_256 = tpu.memref_squeeze %dma_start3A_255 : memref<1x!tpu.dma_semaphore, #tpu.memory_space<semaphore_mem>> -> memref<!tpu.dma_semaphore, #tpu.memory_space<semaphore_mem>>
    %dma_start3A_257 = arith.constant 0 : i32
    %dma_start3A_258 = tpu.memref_slice %arg4[%mul3A_246, %dma_start3A_257] : memref<917504x128xf32, #tpu.memory_space<hbm>> -> memref<50x64xf32, #tpu.memory_space<hbm>>
    %dma_start3A_259 = arith.constant 0 : i32
    %dma_start3A_260 = arith.constant 0 : i32
    %dma_start3A_261 = tpu.memref_slice %arg6[%dma_start3A_247, %dma_start3A_259, %dma_start3A_260] : memref<8x50x64xf32, #tpu.memory_space<vmem>> -> memref<1x50x64xf32, #tpu.memory_space<vmem>>
    %dma_start3A_262 = tpu.memref_squeeze %dma_start3A_261 : memref<1x50x64xf32, #tpu.memory_space<vmem>> -> memref<50x64xf32, #tpu.memory_space<vmem>>
    tpu.enqueue_dma source(%dma_start3A_262 : memref<50x64xf32, #tpu.memory_space<vmem>>) target(%dma_start3A_258 : memref<50x64xf32, #tpu.memory_space<hbm>>) target_semaphore(%dma_start3A_256 : memref<!tpu.dma_semaphore, #tpu.memory_space<semaphore_mem>>)
    %dma_wait3A_263 = arith.constant 4 : i32
    %dma_wait3A_264 = arith.constant 4 : i32
    %dma_wait3A_265 = arith.constant 4 : i32
    %dma_wait3A_266 = arith.constant 0 : i32
    %dma_wait3A_267 = arith.constant 0 : i32
    %dma_wait3A_268 = tpu.memref_slice %arg6[%dma_wait3A_264, %dma_wait3A_266, %dma_wait3A_267] : memref<8x50x64xf32, #tpu.memory_space<vmem>> -> memref<1x50x64xf32, #tpu.memory_space<vmem>>
    %dma_wait3A_269 = tpu.memref_squeeze %dma_wait3A_268 : memref<1x50x64xf32, #tpu.memory_space<vmem>> -> memref<50x64xf32, #tpu.memory_space<vmem>>
    %dma_wait3A_270 = arith.constant 0 : i32
    %dma_wait3A_271 = tpu.memref_slice %arg5[%dma_wait3A_263, %dma_wait3A_270] : memref<512x50xi32, #tpu.memory_space<vmem>> -> memref<1x50xi32, #tpu.memory_space<vmem>>
    %dma_wait3A_272 = tpu.memref_squeeze %dma_wait3A_271 : memref<1x50xi32, #tpu.memory_space<vmem>> -> memref<50xi32, #tpu.memory_space<vmem>>
    %dma_wait3A_273 = arith.constant 0 : i32
    %dma_wait3A_274 = arith.constant 0 : i32
    %dma_wait3A_275 = tpu.memref_slice %arg3[%dma_wait3A_273, %dma_wait3A_274] : memref<1000000x64xf32, #tpu.memory_space<hbm>> -> memref<1000000x64xf32, #tpu.memory_space<hbm>>
    %dma_wait3A_276 = tpu.memref_slice %arg7[%dma_wait3A_265] : memref<8x!tpu.dma_semaphore, #tpu.memory_space<semaphore_mem>> -> memref<1x!tpu.dma_semaphore, #tpu.memory_space<semaphore_mem>>
    %dma_wait3A_277 = tpu.memref_squeeze %dma_wait3A_276 : memref<1x!tpu.dma_semaphore, #tpu.memory_space<semaphore_mem>> -> memref<!tpu.dma_semaphore, #tpu.memory_space<semaphore_mem>>
    tpu.wait_indirect_dma semaphore(%dma_wait3A_277 : memref<!tpu.dma_semaphore, #tpu.memory_space<semaphore_mem>>) src(%dma_wait3A_275 : memref<1000000x64xf32, #tpu.memory_space<hbm>>) dst(%dma_wait3A_269 : memref<50x64xf32, #tpu.memory_space<vmem>>)
    %add3A_278 = arith.constant 4 : i32
    %add3A_279 = arith.addi %mul3A_4, %add3A_278 : i32
    %mul3A_280 = arith.constant 56 : i32
    %mul3A_281 = arith.muli %add3A_279, %mul3A_280 : i32
    %dma_start3A_282 = arith.constant 4 : i32
    %dma_start3A_283 = arith.constant 4 : i32
    %dma_start3A_284 = arith.constant 0 : i32
    %dma_start3A_285 = arith.constant 0 : i32
    %dma_start3A_286 = tpu.memref_slice %arg6[%dma_start3A_282, %dma_start3A_284, %dma_start3A_285] : memref<8x50x64xf32, #tpu.memory_space<vmem>> -> memref<1x50x64xf32, #tpu.memory_space<vmem>>
    %dma_start3A_287 = tpu.memref_squeeze %dma_start3A_286 : memref<1x50x64xf32, #tpu.memory_space<vmem>> -> memref<50x64xf32, #tpu.memory_space<vmem>>
    %dma_start3A_288 = arith.constant 0 : i32
    %dma_start3A_289 = tpu.memref_slice %arg4[%mul3A_281, %dma_start3A_288] : memref<917504x128xf32, #tpu.memory_space<hbm>> -> memref<50x64xf32, #tpu.memory_space<hbm>>
    %dma_start3A_290 = tpu.memref_slice %arg8[%dma_start3A_283] : memref<8x!tpu.dma_semaphore, #tpu.memory_space<semaphore_mem>> -> memref<1x!tpu.dma_semaphore, #tpu.memory_space<semaphore_mem>>
    %dma_start3A_291 = tpu.memref_squeeze %dma_start3A_290 : memref<1x!tpu.dma_semaphore, #tpu.memory_space<semaphore_mem>> -> memref<!tpu.dma_semaphore, #tpu.memory_space<semaphore_mem>>
    %dma_start3A_292 = arith.constant 0 : i32
    %dma_start3A_293 = tpu.memref_slice %arg4[%mul3A_281, %dma_start3A_292] : memref<917504x128xf32, #tpu.memory_space<hbm>> -> memref<50x64xf32, #tpu.memory_space<hbm>>
    %dma_start3A_294 = arith.constant 0 : i32
    %dma_start3A_295 = arith.constant 0 : i32
    %dma_start3A_296 = tpu.memref_slice %arg6[%dma_start3A_282, %dma_start3A_294, %dma_start3A_295] : memref<8x50x64xf32, #tpu.memory_space<vmem>> -> memref<1x50x64xf32, #tpu.memory_space<vmem>>
    %dma_start3A_297 = tpu.memref_squeeze %dma_start3A_296 : memref<1x50x64xf32, #tpu.memory_space<vmem>> -> memref<50x64xf32, #tpu.memory_space<vmem>>
    tpu.enqueue_dma source(%dma_start3A_297 : memref<50x64xf32, #tpu.memory_space<vmem>>) target(%dma_start3A_293 : memref<50x64xf32, #tpu.memory_space<hbm>>) target_semaphore(%dma_start3A_291 : memref<!tpu.dma_semaphore, #tpu.memory_space<semaphore_mem>>)
    %dma_wait3A_298 = arith.constant 5 : i32
    %dma_wait3A_299 = arith.constant 5 : i32
    %dma_wait3A_300 = arith.constant 5 : i32
    %dma_wait3A_301 = arith.constant 0 : i32
    %dma_wait3A_302 = arith.constant 0 : i32
    %dma_wait3A_303 = tpu.memref_slice %arg6[%dma_wait3A_299, %dma_wait3A_301, %dma_wait3A_302] : memref<8x50x64xf32, #tpu.memory_space<vmem>> -> memref<1x50x64xf32, #tpu.memory_space<vmem>>
    %dma_wait3A_304 = tpu.memref_squeeze %dma_wait3A_303 : memref<1x50x64xf32, #tpu.memory_space<vmem>> -> memref<50x64xf32, #tpu.memory_space<vmem>>
    %dma_wait3A_305 = arith.constant 0 : i32
    %dma_wait3A_306 = tpu.memref_slice %arg5[%dma_wait3A_298, %dma_wait3A_305] : memref<512x50xi32, #tpu.memory_space<vmem>> -> memref<1x50xi32, #tpu.memory_space<vmem>>
    %dma_wait3A_307 = tpu.memref_squeeze %dma_wait3A_306 : memref<1x50xi32, #tpu.memory_space<vmem>> -> memref<50xi32, #tpu.memory_space<vmem>>
    %dma_wait3A_308 = arith.constant 0 : i32
    %dma_wait3A_309 = arith.constant 0 : i32
    %dma_wait3A_310 = tpu.memref_slice %arg3[%dma_wait3A_308, %dma_wait3A_309] : memref<1000000x64xf32, #tpu.memory_space<hbm>> -> memref<1000000x64xf32, #tpu.memory_space<hbm>>
    %dma_wait3A_311 = tpu.memref_slice %arg7[%dma_wait3A_300] : memref<8x!tpu.dma_semaphore, #tpu.memory_space<semaphore_mem>> -> memref<1x!tpu.dma_semaphore, #tpu.memory_space<semaphore_mem>>
    %dma_wait3A_312 = tpu.memref_squeeze %dma_wait3A_311 : memref<1x!tpu.dma_semaphore, #tpu.memory_space<semaphore_mem>> -> memref<!tpu.dma_semaphore, #tpu.memory_space<semaphore_mem>>
    tpu.wait_indirect_dma semaphore(%dma_wait3A_312 : memref<!tpu.dma_semaphore, #tpu.memory_space<semaphore_mem>>) src(%dma_wait3A_310 : memref<1000000x64xf32, #tpu.memory_space<hbm>>) dst(%dma_wait3A_304 : memref<50x64xf32, #tpu.memory_space<vmem>>)
    %add3A_313 = arith.constant 5 : i32
    %add3A_314 = arith.addi %mul3A_4, %add3A_313 : i32
    %mul3A_315 = arith.constant 56 : i32
    %mul3A_316 = arith.muli %add3A_314, %mul3A_315 : i32
    %dma_start3A_317 = arith.constant 5 : i32
    %dma_start3A_318 = arith.constant 5 : i32
    %dma_start3A_319 = arith.constant 0 : i32
    %dma_start3A_320 = arith.constant 0 : i32
    %dma_start3A_321 = tpu.memref_slice %arg6[%dma_start3A_317, %dma_start3A_319, %dma_start3A_320] : memref<8x50x64xf32, #tpu.memory_space<vmem>> -> memref<1x50x64xf32, #tpu.memory_space<vmem>>
    %dma_start3A_322 = tpu.memref_squeeze %dma_start3A_321 : memref<1x50x64xf32, #tpu.memory_space<vmem>> -> memref<50x64xf32, #tpu.memory_space<vmem>>
    %dma_start3A_323 = arith.constant 0 : i32
    %dma_start3A_324 = tpu.memref_slice %arg4[%mul3A_316, %dma_start3A_323] : memref<917504x128xf32, #tpu.memory_space<hbm>> -> memref<50x64xf32, #tpu.memory_space<hbm>>
    %dma_start3A_325 = tpu.memref_slice %arg8[%dma_start3A_318] : memref<8x!tpu.dma_semaphore, #tpu.memory_space<semaphore_mem>> -> memref<1x!tpu.dma_semaphore, #tpu.memory_space<semaphore_mem>>
    %dma_start3A_326 = tpu.memref_squeeze %dma_start3A_325 : memref<1x!tpu.dma_semaphore, #tpu.memory_space<semaphore_mem>> -> memref<!tpu.dma_semaphore, #tpu.memory_space<semaphore_mem>>
    %dma_start3A_327 = arith.constant 0 : i32
    %dma_start3A_328 = tpu.memref_slice %arg4[%mul3A_316, %dma_start3A_327] : memref<917504x128xf32, #tpu.memory_space<hbm>> -> memref<50x64xf32, #tpu.memory_space<hbm>>
    %dma_start3A_329 = arith.constant 0 : i32
    %dma_start3A_330 = arith.constant 0 : i32
    %dma_start3A_331 = tpu.memref_slice %arg6[%dma_start3A_317, %dma_start3A_329, %dma_start3A_330] : memref<8x50x64xf32, #tpu.memory_space<vmem>> -> memref<1x50x64xf32, #tpu.memory_space<vmem>>
    %dma_start3A_332 = tpu.memref_squeeze %dma_start3A_331 : memref<1x50x64xf32, #tpu.memory_space<vmem>> -> memref<50x64xf32, #tpu.memory_space<vmem>>
    tpu.enqueue_dma source(%dma_start3A_332 : memref<50x64xf32, #tpu.memory_space<vmem>>) target(%dma_start3A_328 : memref<50x64xf32, #tpu.memory_space<hbm>>) target_semaphore(%dma_start3A_326 : memref<!tpu.dma_semaphore, #tpu.memory_space<semaphore_mem>>)
    %dma_wait3A_333 = arith.constant 6 : i32
    %dma_wait3A_334 = arith.constant 6 : i32
    %dma_wait3A_335 = arith.constant 6 : i32
    %dma_wait3A_336 = arith.constant 0 : i32
    %dma_wait3A_337 = arith.constant 0 : i32
    %dma_wait3A_338 = tpu.memref_slice %arg6[%dma_wait3A_334, %dma_wait3A_336, %dma_wait3A_337] : memref<8x50x64xf32, #tpu.memory_space<vmem>> -> memref<1x50x64xf32, #tpu.memory_space<vmem>>
    %dma_wait3A_339 = tpu.memref_squeeze %dma_wait3A_338 : memref<1x50x64xf32, #tpu.memory_space<vmem>> -> memref<50x64xf32, #tpu.memory_space<vmem>>
    %dma_wait3A_340 = arith.constant 0 : i32
    %dma_wait3A_341 = tpu.memref_slice %arg5[%dma_wait3A_333, %dma_wait3A_340] : memref<512x50xi32, #tpu.memory_space<vmem>> -> memref<1x50xi32, #tpu.memory_space<vmem>>
    %dma_wait3A_342 = tpu.memref_squeeze %dma_wait3A_341 : memref<1x50xi32, #tpu.memory_space<vmem>> -> memref<50xi32, #tpu.memory_space<vmem>>
    %dma_wait3A_343 = arith.constant 0 : i32
    %dma_wait3A_344 = arith.constant 0 : i32
    %dma_wait3A_345 = tpu.memref_slice %arg3[%dma_wait3A_343, %dma_wait3A_344] : memref<1000000x64xf32, #tpu.memory_space<hbm>> -> memref<1000000x64xf32, #tpu.memory_space<hbm>>
    %dma_wait3A_346 = tpu.memref_slice %arg7[%dma_wait3A_335] : memref<8x!tpu.dma_semaphore, #tpu.memory_space<semaphore_mem>> -> memref<1x!tpu.dma_semaphore, #tpu.memory_space<semaphore_mem>>
    %dma_wait3A_347 = tpu.memref_squeeze %dma_wait3A_346 : memref<1x!tpu.dma_semaphore, #tpu.memory_space<semaphore_mem>> -> memref<!tpu.dma_semaphore, #tpu.memory_space<semaphore_mem>>
    tpu.wait_indirect_dma semaphore(%dma_wait3A_347 : memref<!tpu.dma_semaphore, #tpu.memory_space<semaphore_mem>>) src(%dma_wait3A_345 : memref<1000000x64xf32, #tpu.memory_space<hbm>>) dst(%dma_wait3A_339 : memref<50x64xf32, #tpu.memory_space<vmem>>)
    %add3A_348 = arith.constant 6 : i32
    %add3A_349 = arith.addi %mul3A_4, %add3A_348 : i32
    %mul3A_350 = arith.constant 56 : i32
    %mul3A_351 = arith.muli %add3A_349, %mul3A_350 : i32
    %dma_start3A_352 = arith.constant 6 : i32
    %dma_start3A_353 = arith.constant 6 : i32
    %dma_start3A_354 = arith.constant 0 : i32
    %dma_start3A_355 = arith.constant 0 : i32
    %dma_start3A_356 = tpu.memref_slice %arg6[%dma_start3A_352, %dma_start3A_354, %dma_start3A_355] : memref<8x50x64xf32, #tpu.memory_space<vmem>> -> memref<1x50x64xf32, #tpu.memory_space<vmem>>
    %dma_start3A_357 = tpu.memref_squeeze %dma_start3A_356 : memref<1x50x64xf32, #tpu.memory_space<vmem>> -> memref<50x64xf32, #tpu.memory_space<vmem>>
    %dma_start3A_358 = arith.constant 0 : i32
    %dma_start3A_359 = tpu.memref_slice %arg4[%mul3A_351, %dma_start3A_358] : memref<917504x128xf32, #tpu.memory_space<hbm>> -> memref<50x64xf32, #tpu.memory_space<hbm>>
    %dma_start3A_360 = tpu.memref_slice %arg8[%dma_start3A_353] : memref<8x!tpu.dma_semaphore, #tpu.memory_space<semaphore_mem>> -> memref<1x!tpu.dma_semaphore, #tpu.memory_space<semaphore_mem>>
    %dma_start3A_361 = tpu.memref_squeeze %dma_start3A_360 : memref<1x!tpu.dma_semaphore, #tpu.memory_space<semaphore_mem>> -> memref<!tpu.dma_semaphore, #tpu.memory_space<semaphore_mem>>
    %dma_start3A_362 = arith.constant 0 : i32
    %dma_start3A_363 = tpu.memref_slice %arg4[%mul3A_351, %dma_start3A_362] : memref<917504x128xf32, #tpu.memory_space<hbm>> -> memref<50x64xf32, #tpu.memory_space<hbm>>
    %dma_start3A_364 = arith.constant 0 : i32
    %dma_start3A_365 = arith.constant 0 : i32
    %dma_start3A_366 = tpu.memref_slice %arg6[%dma_start3A_352, %dma_start3A_364, %dma_start3A_365] : memref<8x50x64xf32, #tpu.memory_space<vmem>> -> memref<1x50x64xf32, #tpu.memory_space<vmem>>
    %dma_start3A_367 = tpu.memref_squeeze %dma_start3A_366 : memref<1x50x64xf32, #tpu.memory_space<vmem>> -> memref<50x64xf32, #tpu.memory_space<vmem>>
    tpu.enqueue_dma source(%dma_start3A_367 : memref<50x64xf32, #tpu.memory_space<vmem>>) target(%dma_start3A_363 : memref<50x64xf32, #tpu.memory_space<hbm>>) target_semaphore(%dma_start3A_361 : memref<!tpu.dma_semaphore, #tpu.memory_space<semaphore_mem>>)
    %dma_wait3A_368 = arith.constant 7 : i32
    %dma_wait3A_369 = arith.constant 7 : i32
    %dma_wait3A_370 = arith.constant 7 : i32
    %dma_wait3A_371 = arith.constant 0 : i32
    %dma_wait3A_372 = arith.constant 0 : i32
    %dma_wait3A_373 = tpu.memref_slice %arg6[%dma_wait3A_369, %dma_wait3A_371, %dma_wait3A_372] : memref<8x50x64xf32, #tpu.memory_space<vmem>> -> memref<1x50x64xf32, #tpu.memory_space<vmem>>
    %dma_wait3A_374 = tpu.memref_squeeze %dma_wait3A_373 : memref<1x50x64xf32, #tpu.memory_space<vmem>> -> memref<50x64xf32, #tpu.memory_space<vmem>>
    %dma_wait3A_375 = arith.constant 0 : i32
    %dma_wait3A_376 = tpu.memref_slice %arg5[%dma_wait3A_368, %dma_wait3A_375] : memref<512x50xi32, #tpu.memory_space<vmem>> -> memref<1x50xi32, #tpu.memory_space<vmem>>
    %dma_wait3A_377 = tpu.memref_squeeze %dma_wait3A_376 : memref<1x50xi32, #tpu.memory_space<vmem>> -> memref<50xi32, #tpu.memory_space<vmem>>
    %dma_wait3A_378 = arith.constant 0 : i32
    %dma_wait3A_379 = arith.constant 0 : i32
    %dma_wait3A_380 = tpu.memref_slice %arg3[%dma_wait3A_378, %dma_wait3A_379] : memref<1000000x64xf32, #tpu.memory_space<hbm>> -> memref<1000000x64xf32, #tpu.memory_space<hbm>>
    %dma_wait3A_381 = tpu.memref_slice %arg7[%dma_wait3A_370] : memref<8x!tpu.dma_semaphore, #tpu.memory_space<semaphore_mem>> -> memref<1x!tpu.dma_semaphore, #tpu.memory_space<semaphore_mem>>
    %dma_wait3A_382 = tpu.memref_squeeze %dma_wait3A_381 : memref<1x!tpu.dma_semaphore, #tpu.memory_space<semaphore_mem>> -> memref<!tpu.dma_semaphore, #tpu.memory_space<semaphore_mem>>
    tpu.wait_indirect_dma semaphore(%dma_wait3A_382 : memref<!tpu.dma_semaphore, #tpu.memory_space<semaphore_mem>>) src(%dma_wait3A_380 : memref<1000000x64xf32, #tpu.memory_space<hbm>>) dst(%dma_wait3A_374 : memref<50x64xf32, #tpu.memory_space<vmem>>)
    %add3A_383 = arith.constant 7 : i32
    %add3A_384 = arith.addi %mul3A_4, %add3A_383 : i32
    %mul3A_385 = arith.constant 56 : i32
    %mul3A_386 = arith.muli %add3A_384, %mul3A_385 : i32
    %dma_start3A_387 = arith.constant 7 : i32
    %dma_start3A_388 = arith.constant 7 : i32
    %dma_start3A_389 = arith.constant 0 : i32
    %dma_start3A_390 = arith.constant 0 : i32
    %dma_start3A_391 = tpu.memref_slice %arg6[%dma_start3A_387, %dma_start3A_389, %dma_start3A_390] : memref<8x50x64xf32, #tpu.memory_space<vmem>> -> memref<1x50x64xf32, #tpu.memory_space<vmem>>
    %dma_start3A_392 = tpu.memref_squeeze %dma_start3A_391 : memref<1x50x64xf32, #tpu.memory_space<vmem>> -> memref<50x64xf32, #tpu.memory_space<vmem>>
    %dma_start3A_393 = arith.constant 0 : i32
    %dma_start3A_394 = tpu.memref_slice %arg4[%mul3A_386, %dma_start3A_393] : memref<917504x128xf32, #tpu.memory_space<hbm>> -> memref<50x64xf32, #tpu.memory_space<hbm>>
    %dma_start3A_395 = tpu.memref_slice %arg8[%dma_start3A_388] : memref<8x!tpu.dma_semaphore, #tpu.memory_space<semaphore_mem>> -> memref<1x!tpu.dma_semaphore, #tpu.memory_space<semaphore_mem>>
    %dma_start3A_396 = tpu.memref_squeeze %dma_start3A_395 : memref<1x!tpu.dma_semaphore, #tpu.memory_space<semaphore_mem>> -> memref<!tpu.dma_semaphore, #tpu.memory_space<semaphore_mem>>
    %dma_start3A_397 = arith.constant 0 : i32
    %dma_start3A_398 = tpu.memref_slice %arg4[%mul3A_386, %dma_start3A_397] : memref<917504x128xf32, #tpu.memory_space<hbm>> -> memref<50x64xf32, #tpu.memory_space<hbm>>
    %dma_start3A_399 = arith.constant 0 : i32
    %dma_start3A_400 = arith.constant 0 : i32
    %dma_start3A_401 = tpu.memref_slice %arg6[%dma_start3A_387, %dma_start3A_399, %dma_start3A_400] : memref<8x50x64xf32, #tpu.memory_space<vmem>> -> memref<1x50x64xf32, #tpu.memory_space<vmem>>
    %dma_start3A_402 = tpu.memref_squeeze %dma_start3A_401 : memref<1x50x64xf32, #tpu.memory_space<vmem>> -> memref<50x64xf32, #tpu.memory_space<vmem>>
    tpu.enqueue_dma source(%dma_start3A_402 : memref<50x64xf32, #tpu.memory_space<vmem>>) target(%dma_start3A_398 : memref<50x64xf32, #tpu.memory_space<hbm>>) target_semaphore(%dma_start3A_396 : memref<!tpu.dma_semaphore, #tpu.memory_space<semaphore_mem>>)
    %scan3A = arith.constant 0 : i32
    %scan3A_403 = arith.constant 63 : i32
    %scan3A_404 = arith.addi %scan3A, %scan3A_403 : i32
    %scan3A_405 = arith.constant 1 : i32
    scf.for %scan3A_551 = %scan3A to %scan3A_404 step %scan3A_405  : i32 {
      %mul3A_552 = arith.constant 1 : i32
      %mul3A_553 = arith.muli %scan3A_551, %mul3A_552 : i32
      %add3A_554 = arith.constant 1 : i32
      %add3A_555 = arith.addi %add3A_554, %mul3A_553 : i32
      %mul3A_556 = arith.constant 56 : i32
      %mul3A_557 = arith.muli %mul3A_4, %mul3A_556 : i32
      %dma_wait3A_558 = arith.constant 0 : i32
      %dma_wait3A_559 = arith.constant 0 : i32
      %dma_wait3A_560 = arith.constant 0 : i32
      %dma_wait3A_561 = arith.constant 0 : i32
      %dma_wait3A_562 = tpu.memref_slice %arg6[%dma_wait3A_558, %dma_wait3A_560, %dma_wait3A_561] : memref<8x50x64xf32, #tpu.memory_space<vmem>> -> memref<1x50x64xf32, #tpu.memory_space<vmem>>
      %dma_wait3A_563 = tpu.memref_squeeze %dma_wait3A_562 : memref<1x50x64xf32, #tpu.memory_space<vmem>> -> memref<50x64xf32, #tpu.memory_space<vmem>>
      %dma_wait3A_564 = arith.constant 0 : i32
      %dma_wait3A_565 = tpu.memref_slice %arg4[%mul3A_557, %dma_wait3A_564] : memref<917504x128xf32, #tpu.memory_space<hbm>> -> memref<50x64xf32, #tpu.memory_space<hbm>>
      %dma_wait3A_566 = tpu.memref_slice %arg8[%dma_wait3A_559] : memref<8x!tpu.dma_semaphore, #tpu.memory_space<semaphore_mem>> -> memref<1x!tpu.dma_semaphore, #tpu.memory_space<semaphore_mem>>
      %dma_wait3A_567 = tpu.memref_squeeze %dma_wait3A_566 : memref<1x!tpu.dma_semaphore, #tpu.memory_space<semaphore_mem>> -> memref<!tpu.dma_semaphore, #tpu.memory_space<semaphore_mem>>
      %dma_wait3A_568 = arith.constant 0 : i32
      %dma_wait3A_569 = tpu.memref_slice %arg4[%mul3A_557, %dma_wait3A_568] : memref<917504x128xf32, #tpu.memory_space<hbm>> -> memref<50x64xf32, #tpu.memory_space<hbm>>
      %dma_wait3A_570 = arith.constant 0 : i32
      %dma_wait3A_571 = arith.constant 0 : i32
      %dma_wait3A_572 = tpu.memref_slice %arg6[%dma_wait3A_558, %dma_wait3A_570, %dma_wait3A_571] : memref<8x50x64xf32, #tpu.memory_space<vmem>> -> memref<1x50x64xf32, #tpu.memory_space<vmem>>
      %dma_wait3A_573 = tpu.memref_squeeze %dma_wait3A_572 : memref<1x50x64xf32, #tpu.memory_space<vmem>> -> memref<50x64xf32, #tpu.memory_space<vmem>>
      tpu.wait_dma2 semaphore(%dma_wait3A_567 : memref<!tpu.dma_semaphore, #tpu.memory_space<semaphore_mem>>) src(%dma_wait3A_573 : memref<50x64xf32, #tpu.memory_space<vmem>>) dst(%dma_wait3A_569 : memref<50x64xf32, #tpu.memory_space<hbm>>)
      %mul3A_574 = arith.constant 8 : i32
      %mul3A_575 = arith.muli %add3A_555, %mul3A_574 : i32
      %add3A_576 = arith.constant 0 : i32
      %add3A_577 = arith.addi %mul3A_575, %add3A_576 : i32
      %dma_start3A_578 = arith.constant 0 : i32
      %dma_start3A_579 = arith.constant 0 : i32
      %dma_start3A_580 = arith.constant 0 : i32
      %dma_start3A_581 = arith.constant 0 : i32
      %dma_start3A_582 = tpu.memref_slice %arg6[%dma_start3A_578, %dma_start3A_580, %dma_start3A_581] : memref<8x50x64xf32, #tpu.memory_space<vmem>> -> memref<1x50x64xf32, #tpu.memory_space<vmem>>
      %dma_start3A_583 = tpu.memref_squeeze %dma_start3A_582 : memref<1x50x64xf32, #tpu.memory_space<vmem>> -> memref<50x64xf32, #tpu.memory_space<vmem>>
      %dma_start3A_584 = arith.constant 0 : i32
      %dma_start3A_585 = tpu.memref_slice %arg5[%add3A_577, %dma_start3A_584] : memref<512x50xi32, #tpu.memory_space<vmem>> -> memref<1x50xi32, #tpu.memory_space<vmem>>
      %dma_start3A_586 = tpu.memref_squeeze %dma_start3A_585 : memref<1x50xi32, #tpu.memory_space<vmem>> -> memref<50xi32, #tpu.memory_space<vmem>>
      %dma_start3A_587 = arith.constant 0 : i32
      %dma_start3A_588 = arith.constant 0 : i32
      %dma_start3A_589 = tpu.memref_slice %arg3[%dma_start3A_587, %dma_start3A_588] : memref<1000000x64xf32, #tpu.memory_space<hbm>> -> memref<1000000x64xf32, #tpu.memory_space<hbm>>
      %dma_start3A_590 = tpu.memref_slice %arg7[%dma_start3A_579] : memref<8x!tpu.dma_semaphore, #tpu.memory_space<semaphore_mem>> -> memref<1x!tpu.dma_semaphore, #tpu.memory_space<semaphore_mem>>
      %dma_start3A_591 = tpu.memref_squeeze %dma_start3A_590 : memref<1x!tpu.dma_semaphore, #tpu.memory_space<semaphore_mem>> -> memref<!tpu.dma_semaphore, #tpu.memory_space<semaphore_mem>>
      tpu.enqueue_indirect_dma source(%dma_start3A_589 : memref<1000000x64xf32, #tpu.memory_space<hbm>>) target(%dma_start3A_583 : memref<50x64xf32, #tpu.memory_space<vmem>>) offsets(%dma_start3A_586 : memref<50xi32, #tpu.memory_space<vmem>>) semaphore(%dma_start3A_591 : memref<!tpu.dma_semaphore, #tpu.memory_space<semaphore_mem>>)
      %mul3A_592 = arith.constant 56 : i32
      %mul3A_593 = arith.muli %mul3A_4, %mul3A_592 : i32
      %dma_wait3A_594 = arith.constant 1 : i32
      %dma_wait3A_595 = arith.constant 1 : i32
      %dma_wait3A_596 = arith.constant 0 : i32
      %dma_wait3A_597 = arith.constant 0 : i32
      %dma_wait3A_598 = tpu.memref_slice %arg6[%dma_wait3A_594, %dma_wait3A_596, %dma_wait3A_597] : memref<8x50x64xf32, #tpu.memory_space<vmem>> -> memref<1x50x64xf32, #tpu.memory_space<vmem>>
      %dma_wait3A_599 = tpu.memref_squeeze %dma_wait3A_598 : memref<1x50x64xf32, #tpu.memory_space<vmem>> -> memref<50x64xf32, #tpu.memory_space<vmem>>
      %dma_wait3A_600 = arith.constant 0 : i32
      %dma_wait3A_601 = tpu.memref_slice %arg4[%mul3A_593, %dma_wait3A_600] : memref<917504x128xf32, #tpu.memory_space<hbm>> -> memref<50x64xf32, #tpu.memory_space<hbm>>
      %dma_wait3A_602 = tpu.memref_slice %arg8[%dma_wait3A_595] : memref<8x!tpu.dma_semaphore, #tpu.memory_space<semaphore_mem>> -> memref<1x!tpu.dma_semaphore, #tpu.memory_space<semaphore_mem>>
      %dma_wait3A_603 = tpu.memref_squeeze %dma_wait3A_602 : memref<1x!tpu.dma_semaphore, #tpu.memory_space<semaphore_mem>> -> memref<!tpu.dma_semaphore, #tpu.memory_space<semaphore_mem>>
      %dma_wait3A_604 = arith.constant 0 : i32
      %dma_wait3A_605 = tpu.memref_slice %arg4[%mul3A_593, %dma_wait3A_604] : memref<917504x128xf32, #tpu.memory_space<hbm>> -> memref<50x64xf32, #tpu.memory_space<hbm>>
      %dma_wait3A_606 = arith.constant 0 : i32
      %dma_wait3A_607 = arith.constant 0 : i32
      %dma_wait3A_608 = tpu.memref_slice %arg6[%dma_wait3A_594, %dma_wait3A_606, %dma_wait3A_607] : memref<8x50x64xf32, #tpu.memory_space<vmem>> -> memref<1x50x64xf32, #tpu.memory_space<vmem>>
      %dma_wait3A_609 = tpu.memref_squeeze %dma_wait3A_608 : memref<1x50x64xf32, #tpu.memory_space<vmem>> -> memref<50x64xf32, #tpu.memory_space<vmem>>
      tpu.wait_dma2 semaphore(%dma_wait3A_603 : memref<!tpu.dma_semaphore, #tpu.memory_space<semaphore_mem>>) src(%dma_wait3A_609 : memref<50x64xf32, #tpu.memory_space<vmem>>) dst(%dma_wait3A_605 : memref<50x64xf32, #tpu.memory_space<hbm>>)
      %mul3A_610 = arith.constant 8 : i32
      %mul3A_611 = arith.muli %add3A_555, %mul3A_610 : i32
      %add3A_612 = arith.constant 1 : i32
      %add3A_613 = arith.addi %mul3A_611, %add3A_612 : i32
      %dma_start3A_614 = arith.constant 1 : i32
      %dma_start3A_615 = arith.constant 1 : i32
      %dma_start3A_616 = arith.constant 0 : i32
      %dma_start3A_617 = arith.constant 0 : i32
      %dma_start3A_618 = tpu.memref_slice %arg6[%dma_start3A_614, %dma_start3A_616, %dma_start3A_617] : memref<8x50x64xf32, #tpu.memory_space<vmem>> -> memref<1x50x64xf32, #tpu.memory_space<vmem>>
      %dma_start3A_619 = tpu.memref_squeeze %dma_start3A_618 : memref<1x50x64xf32, #tpu.memory_space<vmem>> -> memref<50x64xf32, #tpu.memory_space<vmem>>
      %dma_start3A_620 = arith.constant 0 : i32
      %dma_start3A_621 = tpu.memref_slice %arg5[%add3A_613, %dma_start3A_620] : memref<512x50xi32, #tpu.memory_space<vmem>> -> memref<1x50xi32, #tpu.memory_space<vmem>>
      %dma_start3A_622 = tpu.memref_squeeze %dma_start3A_621 : memref<1x50xi32, #tpu.memory_space<vmem>> -> memref<50xi32, #tpu.memory_space<vmem>>
      %dma_start3A_623 = arith.constant 0 : i32
      %dma_start3A_624 = arith.constant 0 : i32
      %dma_start3A_625 = tpu.memref_slice %arg3[%dma_start3A_623, %dma_start3A_624] : memref<1000000x64xf32, #tpu.memory_space<hbm>> -> memref<1000000x64xf32, #tpu.memory_space<hbm>>
      %dma_start3A_626 = tpu.memref_slice %arg7[%dma_start3A_615] : memref<8x!tpu.dma_semaphore, #tpu.memory_space<semaphore_mem>> -> memref<1x!tpu.dma_semaphore, #tpu.memory_space<semaphore_mem>>
      %dma_start3A_627 = tpu.memref_squeeze %dma_start3A_626 : memref<1x!tpu.dma_semaphore, #tpu.memory_space<semaphore_mem>> -> memref<!tpu.dma_semaphore, #tpu.memory_space<semaphore_mem>>
      tpu.enqueue_indirect_dma source(%dma_start3A_625 : memref<1000000x64xf32, #tpu.memory_space<hbm>>) target(%dma_start3A_619 : memref<50x64xf32, #tpu.memory_space<vmem>>) offsets(%dma_start3A_622 : memref<50xi32, #tpu.memory_space<vmem>>) semaphore(%dma_start3A_627 : memref<!tpu.dma_semaphore, #tpu.memory_space<semaphore_mem>>)
      %mul3A_628 = arith.constant 56 : i32
      %mul3A_629 = arith.muli %mul3A_4, %mul3A_628 : i32
      %dma_wait3A_630 = arith.constant 2 : i32
      %dma_wait3A_631 = arith.constant 2 : i32
      %dma_wait3A_632 = arith.constant 0 : i32
      %dma_wait3A_633 = arith.constant 0 : i32
      %dma_wait3A_634 = tpu.memref_slice %arg6[%dma_wait3A_630, %dma_wait3A_632, %dma_wait3A_633] : memref<8x50x64xf32, #tpu.memory_space<vmem>> -> memref<1x50x64xf32, #tpu.memory_space<vmem>>
      %dma_wait3A_635 = tpu.memref_squeeze %dma_wait3A_634 : memref<1x50x64xf32, #tpu.memory_space<vmem>> -> memref<50x64xf32, #tpu.memory_space<vmem>>
      %dma_wait3A_636 = arith.constant 0 : i32
      %dma_wait3A_637 = tpu.memref_slice %arg4[%mul3A_629, %dma_wait3A_636] : memref<917504x128xf32, #tpu.memory_space<hbm>> -> memref<50x64xf32, #tpu.memory_space<hbm>>
      %dma_wait3A_638 = tpu.memref_slice %arg8[%dma_wait3A_631] : memref<8x!tpu.dma_semaphore, #tpu.memory_space<semaphore_mem>> -> memref<1x!tpu.dma_semaphore, #tpu.memory_space<semaphore_mem>>
      %dma_wait3A_639 = tpu.memref_squeeze %dma_wait3A_638 : memref<1x!tpu.dma_semaphore, #tpu.memory_space<semaphore_mem>> -> memref<!tpu.dma_semaphore, #tpu.memory_space<semaphore_mem>>
      %dma_wait3A_640 = arith.constant 0 : i32
      %dma_wait3A_641 = tpu.memref_slice %arg4[%mul3A_629, %dma_wait3A_640] : memref<917504x128xf32, #tpu.memory_space<hbm>> -> memref<50x64xf32, #tpu.memory_space<hbm>>
      %dma_wait3A_642 = arith.constant 0 : i32
      %dma_wait3A_643 = arith.constant 0 : i32
      %dma_wait3A_644 = tpu.memref_slice %arg6[%dma_wait3A_630, %dma_wait3A_642, %dma_wait3A_643] : memref<8x50x64xf32, #tpu.memory_space<vmem>> -> memref<1x50x64xf32, #tpu.memory_space<vmem>>
      %dma_wait3A_645 = tpu.memref_squeeze %dma_wait3A_644 : memref<1x50x64xf32, #tpu.memory_space<vmem>> -> memref<50x64xf32, #tpu.memory_space<vmem>>
      tpu.wait_dma2 semaphore(%dma_wait3A_639 : memref<!tpu.dma_semaphore, #tpu.memory_space<semaphore_mem>>) src(%dma_wait3A_645 : memref<50x64xf32, #tpu.memory_space<vmem>>) dst(%dma_wait3A_641 : memref<50x64xf32, #tpu.memory_space<hbm>>)
      %mul3A_646 = arith.constant 8 : i32
      %mul3A_647 = arith.muli %add3A_555, %mul3A_646 : i32
      %add3A_648 = arith.constant 2 : i32
      %add3A_649 = arith.addi %mul3A_647, %add3A_648 : i32
      %dma_start3A_650 = arith.constant 2 : i32
      %dma_start3A_651 = arith.constant 2 : i32
      %dma_start3A_652 = arith.constant 0 : i32
      %dma_start3A_653 = arith.constant 0 : i32
      %dma_start3A_654 = tpu.memref_slice %arg6[%dma_start3A_650, %dma_start3A_652, %dma_start3A_653] : memref<8x50x64xf32, #tpu.memory_space<vmem>> -> memref<1x50x64xf32, #tpu.memory_space<vmem>>
      %dma_start3A_655 = tpu.memref_squeeze %dma_start3A_654 : memref<1x50x64xf32, #tpu.memory_space<vmem>> -> memref<50x64xf32, #tpu.memory_space<vmem>>
      %dma_start3A_656 = arith.constant 0 : i32
      %dma_start3A_657 = tpu.memref_slice %arg5[%add3A_649, %dma_start3A_656] : memref<512x50xi32, #tpu.memory_space<vmem>> -> memref<1x50xi32, #tpu.memory_space<vmem>>
      %dma_start3A_658 = tpu.memref_squeeze %dma_start3A_657 : memref<1x50xi32, #tpu.memory_space<vmem>> -> memref<50xi32, #tpu.memory_space<vmem>>
      %dma_start3A_659 = arith.constant 0 : i32
      %dma_start3A_660 = arith.constant 0 : i32
      %dma_start3A_661 = tpu.memref_slice %arg3[%dma_start3A_659, %dma_start3A_660] : memref<1000000x64xf32, #tpu.memory_space<hbm>> -> memref<1000000x64xf32, #tpu.memory_space<hbm>>
      %dma_start3A_662 = tpu.memref_slice %arg7[%dma_start3A_651] : memref<8x!tpu.dma_semaphore, #tpu.memory_space<semaphore_mem>> -> memref<1x!tpu.dma_semaphore, #tpu.memory_space<semaphore_mem>>
      %dma_start3A_663 = tpu.memref_squeeze %dma_start3A_662 : memref<1x!tpu.dma_semaphore, #tpu.memory_space<semaphore_mem>> -> memref<!tpu.dma_semaphore, #tpu.memory_space<semaphore_mem>>
      tpu.enqueue_indirect_dma source(%dma_start3A_661 : memref<1000000x64xf32, #tpu.memory_space<hbm>>) target(%dma_start3A_655 : memref<50x64xf32, #tpu.memory_space<vmem>>) offsets(%dma_start3A_658 : memref<50xi32, #tpu.memory_space<vmem>>) semaphore(%dma_start3A_663 : memref<!tpu.dma_semaphore, #tpu.memory_space<semaphore_mem>>)
      %mul3A_664 = arith.constant 56 : i32
      %mul3A_665 = arith.muli %mul3A_4, %mul3A_664 : i32
      %dma_wait3A_666 = arith.constant 3 : i32
      %dma_wait3A_667 = arith.constant 3 : i32
      %dma_wait3A_668 = arith.constant 0 : i32
      %dma_wait3A_669 = arith.constant 0 : i32
      %dma_wait3A_670 = tpu.memref_slice %arg6[%dma_wait3A_666, %dma_wait3A_668, %dma_wait3A_669] : memref<8x50x64xf32, #tpu.memory_space<vmem>> -> memref<1x50x64xf32, #tpu.memory_space<vmem>>
      %dma_wait3A_671 = tpu.memref_squeeze %dma_wait3A_670 : memref<1x50x64xf32, #tpu.memory_space<vmem>> -> memref<50x64xf32, #tpu.memory_space<vmem>>
      %dma_wait3A_672 = arith.constant 0 : i32
      %dma_wait3A_673 = tpu.memref_slice %arg4[%mul3A_665, %dma_wait3A_672] : memref<917504x128xf32, #tpu.memory_space<hbm>> -> memref<50x64xf32, #tpu.memory_space<hbm>>
      %dma_wait3A_674 = tpu.memref_slice %arg8[%dma_wait3A_667] : memref<8x!tpu.dma_semaphore, #tpu.memory_space<semaphore_mem>> -> memref<1x!tpu.dma_semaphore, #tpu.memory_space<semaphore_mem>>
      %dma_wait3A_675 = tpu.memref_squeeze %dma_wait3A_674 : memref<1x!tpu.dma_semaphore, #tpu.memory_space<semaphore_mem>> -> memref<!tpu.dma_semaphore, #tpu.memory_space<semaphore_mem>>
      %dma_wait3A_676 = arith.constant 0 : i32
      %dma_wait3A_677 = tpu.memref_slice %arg4[%mul3A_665, %dma_wait3A_676] : memref<917504x128xf32, #tpu.memory_space<hbm>> -> memref<50x64xf32, #tpu.memory_space<hbm>>
      %dma_wait3A_678 = arith.constant 0 : i32
      %dma_wait3A_679 = arith.constant 0 : i32
      %dma_wait3A_680 = tpu.memref_slice %arg6[%dma_wait3A_666, %dma_wait3A_678, %dma_wait3A_679] : memref<8x50x64xf32, #tpu.memory_space<vmem>> -> memref<1x50x64xf32, #tpu.memory_space<vmem>>
      %dma_wait3A_681 = tpu.memref_squeeze %dma_wait3A_680 : memref<1x50x64xf32, #tpu.memory_space<vmem>> -> memref<50x64xf32, #tpu.memory_space<vmem>>
      tpu.wait_dma2 semaphore(%dma_wait3A_675 : memref<!tpu.dma_semaphore, #tpu.memory_space<semaphore_mem>>) src(%dma_wait3A_681 : memref<50x64xf32, #tpu.memory_space<vmem>>) dst(%dma_wait3A_677 : memref<50x64xf32, #tpu.memory_space<hbm>>)
      %mul3A_682 = arith.constant 8 : i32
      %mul3A_683 = arith.muli %add3A_555, %mul3A_682 : i32
      %add3A_684 = arith.constant 3 : i32
      %add3A_685 = arith.addi %mul3A_683, %add3A_684 : i32
      %dma_start3A_686 = arith.constant 3 : i32
      %dma_start3A_687 = arith.constant 3 : i32
      %dma_start3A_688 = arith.constant 0 : i32
      %dma_start3A_689 = arith.constant 0 : i32
      %dma_start3A_690 = tpu.memref_slice %arg6[%dma_start3A_686, %dma_start3A_688, %dma_start3A_689] : memref<8x50x64xf32, #tpu.memory_space<vmem>> -> memref<1x50x64xf32, #tpu.memory_space<vmem>>
      %dma_start3A_691 = tpu.memref_squeeze %dma_start3A_690 : memref<1x50x64xf32, #tpu.memory_space<vmem>> -> memref<50x64xf32, #tpu.memory_space<vmem>>
      %dma_start3A_692 = arith.constant 0 : i32
      %dma_start3A_693 = tpu.memref_slice %arg5[%add3A_685, %dma_start3A_692] : memref<512x50xi32, #tpu.memory_space<vmem>> -> memref<1x50xi32, #tpu.memory_space<vmem>>
      %dma_start3A_694 = tpu.memref_squeeze %dma_start3A_693 : memref<1x50xi32, #tpu.memory_space<vmem>> -> memref<50xi32, #tpu.memory_space<vmem>>
      %dma_start3A_695 = arith.constant 0 : i32
      %dma_start3A_696 = arith.constant 0 : i32
      %dma_start3A_697 = tpu.memref_slice %arg3[%dma_start3A_695, %dma_start3A_696] : memref<1000000x64xf32, #tpu.memory_space<hbm>> -> memref<1000000x64xf32, #tpu.memory_space<hbm>>
      %dma_start3A_698 = tpu.memref_slice %arg7[%dma_start3A_687] : memref<8x!tpu.dma_semaphore, #tpu.memory_space<semaphore_mem>> -> memref<1x!tpu.dma_semaphore, #tpu.memory_space<semaphore_mem>>
      %dma_start3A_699 = tpu.memref_squeeze %dma_start3A_698 : memref<1x!tpu.dma_semaphore, #tpu.memory_space<semaphore_mem>> -> memref<!tpu.dma_semaphore, #tpu.memory_space<semaphore_mem>>
      tpu.enqueue_indirect_dma source(%dma_start3A_697 : memref<1000000x64xf32, #tpu.memory_space<hbm>>) target(%dma_start3A_691 : memref<50x64xf32, #tpu.memory_space<vmem>>) offsets(%dma_start3A_694 : memref<50xi32, #tpu.memory_space<vmem>>) semaphore(%dma_start3A_699 : memref<!tpu.dma_semaphore, #tpu.memory_space<semaphore_mem>>)
      %mul3A_700 = arith.constant 56 : i32
      %mul3A_701 = arith.muli %mul3A_4, %mul3A_700 : i32
      %dma_wait3A_702 = arith.constant 4 : i32
      %dma_wait3A_703 = arith.constant 4 : i32
      %dma_wait3A_704 = arith.constant 0 : i32
      %dma_wait3A_705 = arith.constant 0 : i32
      %dma_wait3A_706 = tpu.memref_slice %arg6[%dma_wait3A_702, %dma_wait3A_704, %dma_wait3A_705] : memref<8x50x64xf32, #tpu.memory_space<vmem>> -> memref<1x50x64xf32, #tpu.memory_space<vmem>>
      %dma_wait3A_707 = tpu.memref_squeeze %dma_wait3A_706 : memref<1x50x64xf32, #tpu.memory_space<vmem>> -> memref<50x64xf32, #tpu.memory_space<vmem>>
      %dma_wait3A_708 = arith.constant 0 : i32
      %dma_wait3A_709 = tpu.memref_slice %arg4[%mul3A_701, %dma_wait3A_708] : memref<917504x128xf32, #tpu.memory_space<hbm>> -> memref<50x64xf32, #tpu.memory_space<hbm>>
      %dma_wait3A_710 = tpu.memref_slice %arg8[%dma_wait3A_703] : memref<8x!tpu.dma_semaphore, #tpu.memory_space<semaphore_mem>> -> memref<1x!tpu.dma_semaphore, #tpu.memory_space<semaphore_mem>>
      %dma_wait3A_711 = tpu.memref_squeeze %dma_wait3A_710 : memref<1x!tpu.dma_semaphore, #tpu.memory_space<semaphore_mem>> -> memref<!tpu.dma_semaphore, #tpu.memory_space<semaphore_mem>>
      %dma_wait3A_712 = arith.constant 0 : i32
      %dma_wait3A_713 = tpu.memref_slice %arg4[%mul3A_701, %dma_wait3A_712] : memref<917504x128xf32, #tpu.memory_space<hbm>> -> memref<50x64xf32, #tpu.memory_space<hbm>>
      %dma_wait3A_714 = arith.constant 0 : i32
      %dma_wait3A_715 = arith.constant 0 : i32
      %dma_wait3A_716 = tpu.memref_slice %arg6[%dma_wait3A_702, %dma_wait3A_714, %dma_wait3A_715] : memref<8x50x64xf32, #tpu.memory_space<vmem>> -> memref<1x50x64xf32, #tpu.memory_space<vmem>>
      %dma_wait3A_717 = tpu.memref_squeeze %dma_wait3A_716 : memref<1x50x64xf32, #tpu.memory_space<vmem>> -> memref<50x64xf32, #tpu.memory_space<vmem>>
      tpu.wait_dma2 semaphore(%dma_wait3A_711 : memref<!tpu.dma_semaphore, #tpu.memory_space<semaphore_mem>>) src(%dma_wait3A_717 : memref<50x64xf32, #tpu.memory_space<vmem>>) dst(%dma_wait3A_713 : memref<50x64xf32, #tpu.memory_space<hbm>>)
      %mul3A_718 = arith.constant 8 : i32
      %mul3A_719 = arith.muli %add3A_555, %mul3A_718 : i32
      %add3A_720 = arith.constant 4 : i32
      %add3A_721 = arith.addi %mul3A_719, %add3A_720 : i32
      %dma_start3A_722 = arith.constant 4 : i32
      %dma_start3A_723 = arith.constant 4 : i32
      %dma_start3A_724 = arith.constant 0 : i32
      %dma_start3A_725 = arith.constant 0 : i32
      %dma_start3A_726 = tpu.memref_slice %arg6[%dma_start3A_722, %dma_start3A_724, %dma_start3A_725] : memref<8x50x64xf32, #tpu.memory_space<vmem>> -> memref<1x50x64xf32, #tpu.memory_space<vmem>>
      %dma_start3A_727 = tpu.memref_squeeze %dma_start3A_726 : memref<1x50x64xf32, #tpu.memory_space<vmem>> -> memref<50x64xf32, #tpu.memory_space<vmem>>
      %dma_start3A_728 = arith.constant 0 : i32
      %dma_start3A_729 = tpu.memref_slice %arg5[%add3A_721, %dma_start3A_728] : memref<512x50xi32, #tpu.memory_space<vmem>> -> memref<1x50xi32, #tpu.memory_space<vmem>>
      %dma_start3A_730 = tpu.memref_squeeze %dma_start3A_729 : memref<1x50xi32, #tpu.memory_space<vmem>> -> memref<50xi32, #tpu.memory_space<vmem>>
      %dma_start3A_731 = arith.constant 0 : i32
      %dma_start3A_732 = arith.constant 0 : i32
      %dma_start3A_733 = tpu.memref_slice %arg3[%dma_start3A_731, %dma_start3A_732] : memref<1000000x64xf32, #tpu.memory_space<hbm>> -> memref<1000000x64xf32, #tpu.memory_space<hbm>>
      %dma_start3A_734 = tpu.memref_slice %arg7[%dma_start3A_723] : memref<8x!tpu.dma_semaphore, #tpu.memory_space<semaphore_mem>> -> memref<1x!tpu.dma_semaphore, #tpu.memory_space<semaphore_mem>>
      %dma_start3A_735 = tpu.memref_squeeze %dma_start3A_734 : memref<1x!tpu.dma_semaphore, #tpu.memory_space<semaphore_mem>> -> memref<!tpu.dma_semaphore, #tpu.memory_space<semaphore_mem>>
      tpu.enqueue_indirect_dma source(%dma_start3A_733 : memref<1000000x64xf32, #tpu.memory_space<hbm>>) target(%dma_start3A_727 : memref<50x64xf32, #tpu.memory_space<vmem>>) offsets(%dma_start3A_730 : memref<50xi32, #tpu.memory_space<vmem>>) semaphore(%dma_start3A_735 : memref<!tpu.dma_semaphore, #tpu.memory_space<semaphore_mem>>)
      %mul3A_736 = arith.constant 56 : i32
      %mul3A_737 = arith.muli %mul3A_4, %mul3A_736 : i32
      %dma_wait3A_738 = arith.constant 5 : i32
      %dma_wait3A_739 = arith.constant 5 : i32
      %dma_wait3A_740 = arith.constant 0 : i32
      %dma_wait3A_741 = arith.constant 0 : i32
      %dma_wait3A_742 = tpu.memref_slice %arg6[%dma_wait3A_738, %dma_wait3A_740, %dma_wait3A_741] : memref<8x50x64xf32, #tpu.memory_space<vmem>> -> memref<1x50x64xf32, #tpu.memory_space<vmem>>
      %dma_wait3A_743 = tpu.memref_squeeze %dma_wait3A_742 : memref<1x50x64xf32, #tpu.memory_space<vmem>> -> memref<50x64xf32, #tpu.memory_space<vmem>>
      %dma_wait3A_744 = arith.constant 0 : i32
      %dma_wait3A_745 = tpu.memref_slice %arg4[%mul3A_737, %dma_wait3A_744] : memref<917504x128xf32, #tpu.memory_space<hbm>> -> memref<50x64xf32, #tpu.memory_space<hbm>>
      %dma_wait3A_746 = tpu.memref_slice %arg8[%dma_wait3A_739] : memref<8x!tpu.dma_semaphore, #tpu.memory_space<semaphore_mem>> -> memref<1x!tpu.dma_semaphore, #tpu.memory_space<semaphore_mem>>
      %dma_wait3A_747 = tpu.memref_squeeze %dma_wait3A_746 : memref<1x!tpu.dma_semaphore, #tpu.memory_space<semaphore_mem>> -> memref<!tpu.dma_semaphore, #tpu.memory_space<semaphore_mem>>
      %dma_wait3A_748 = arith.constant 0 : i32
      %dma_wait3A_749 = tpu.memref_slice %arg4[%mul3A_737, %dma_wait3A_748] : memref<917504x128xf32, #tpu.memory_space<hbm>> -> memref<50x64xf32, #tpu.memory_space<hbm>>
      %dma_wait3A_750 = arith.constant 0 : i32
      %dma_wait3A_751 = arith.constant 0 : i32
      %dma_wait3A_752 = tpu.memref_slice %arg6[%dma_wait3A_738, %dma_wait3A_750, %dma_wait3A_751] : memref<8x50x64xf32, #tpu.memory_space<vmem>> -> memref<1x50x64xf32, #tpu.memory_space<vmem>>
      %dma_wait3A_753 = tpu.memref_squeeze %dma_wait3A_752 : memref<1x50x64xf32, #tpu.memory_space<vmem>> -> memref<50x64xf32, #tpu.memory_space<vmem>>
      tpu.wait_dma2 semaphore(%dma_wait3A_747 : memref<!tpu.dma_semaphore, #tpu.memory_space<semaphore_mem>>) src(%dma_wait3A_753 : memref<50x64xf32, #tpu.memory_space<vmem>>) dst(%dma_wait3A_749 : memref<50x64xf32, #tpu.memory_space<hbm>>)
      %mul3A_754 = arith.constant 8 : i32
      %mul3A_755 = arith.muli %add3A_555, %mul3A_754 : i32
      %add3A_756 = arith.constant 5 : i32
      %add3A_757 = arith.addi %mul3A_755, %add3A_756 : i32
      %dma_start3A_758 = arith.constant 5 : i32
      %dma_start3A_759 = arith.constant 5 : i32
      %dma_start3A_760 = arith.constant 0 : i32
      %dma_start3A_761 = arith.constant 0 : i32
      %dma_start3A_762 = tpu.memref_slice %arg6[%dma_start3A_758, %dma_start3A_760, %dma_start3A_761] : memref<8x50x64xf32, #tpu.memory_space<vmem>> -> memref<1x50x64xf32, #tpu.memory_space<vmem>>
      %dma_start3A_763 = tpu.memref_squeeze %dma_start3A_762 : memref<1x50x64xf32, #tpu.memory_space<vmem>> -> memref<50x64xf32, #tpu.memory_space<vmem>>
      %dma_start3A_764 = arith.constant 0 : i32
      %dma_start3A_765 = tpu.memref_slice %arg5[%add3A_757, %dma_start3A_764] : memref<512x50xi32, #tpu.memory_space<vmem>> -> memref<1x50xi32, #tpu.memory_space<vmem>>
      %dma_start3A_766 = tpu.memref_squeeze %dma_start3A_765 : memref<1x50xi32, #tpu.memory_space<vmem>> -> memref<50xi32, #tpu.memory_space<vmem>>
      %dma_start3A_767 = arith.constant 0 : i32
      %dma_start3A_768 = arith.constant 0 : i32
      %dma_start3A_769 = tpu.memref_slice %arg3[%dma_start3A_767, %dma_start3A_768] : memref<1000000x64xf32, #tpu.memory_space<hbm>> -> memref<1000000x64xf32, #tpu.memory_space<hbm>>
      %dma_start3A_770 = tpu.memref_slice %arg7[%dma_start3A_759] : memref<8x!tpu.dma_semaphore, #tpu.memory_space<semaphore_mem>> -> memref<1x!tpu.dma_semaphore, #tpu.memory_space<semaphore_mem>>
      %dma_start3A_771 = tpu.memref_squeeze %dma_start3A_770 : memref<1x!tpu.dma_semaphore, #tpu.memory_space<semaphore_mem>> -> memref<!tpu.dma_semaphore, #tpu.memory_space<semaphore_mem>>
      tpu.enqueue_indirect_dma source(%dma_start3A_769 : memref<1000000x64xf32, #tpu.memory_space<hbm>>) target(%dma_start3A_763 : memref<50x64xf32, #tpu.memory_space<vmem>>) offsets(%dma_start3A_766 : memref<50xi32, #tpu.memory_space<vmem>>) semaphore(%dma_start3A_771 : memref<!tpu.dma_semaphore, #tpu.memory_space<semaphore_mem>>)
      %mul3A_772 = arith.constant 56 : i32
      %mul3A_773 = arith.muli %mul3A_4, %mul3A_772 : i32
      %dma_wait3A_774 = arith.constant 6 : i32
      %dma_wait3A_775 = arith.constant 6 : i32
      %dma_wait3A_776 = arith.constant 0 : i32
      %dma_wait3A_777 = arith.constant 0 : i32
      %dma_wait3A_778 = tpu.memref_slice %arg6[%dma_wait3A_774, %dma_wait3A_776, %dma_wait3A_777] : memref<8x50x64xf32, #tpu.memory_space<vmem>> -> memref<1x50x64xf32, #tpu.memory_space<vmem>>
      %dma_wait3A_779 = tpu.memref_squeeze %dma_wait3A_778 : memref<1x50x64xf32, #tpu.memory_space<vmem>> -> memref<50x64xf32, #tpu.memory_space<vmem>>
      %dma_wait3A_780 = arith.constant 0 : i32
      %dma_wait3A_781 = tpu.memref_slice %arg4[%mul3A_773, %dma_wait3A_780] : memref<917504x128xf32, #tpu.memory_space<hbm>> -> memref<50x64xf32, #tpu.memory_space<hbm>>
      %dma_wait3A_782 = tpu.memref_slice %arg8[%dma_wait3A_775] : memref<8x!tpu.dma_semaphore, #tpu.memory_space<semaphore_mem>> -> memref<1x!tpu.dma_semaphore, #tpu.memory_space<semaphore_mem>>
      %dma_wait3A_783 = tpu.memref_squeeze %dma_wait3A_782 : memref<1x!tpu.dma_semaphore, #tpu.memory_space<semaphore_mem>> -> memref<!tpu.dma_semaphore, #tpu.memory_space<semaphore_mem>>
      %dma_wait3A_784 = arith.constant 0 : i32
      %dma_wait3A_785 = tpu.memref_slice %arg4[%mul3A_773, %dma_wait3A_784] : memref<917504x128xf32, #tpu.memory_space<hbm>> -> memref<50x64xf32, #tpu.memory_space<hbm>>
      %dma_wait3A_786 = arith.constant 0 : i32
      %dma_wait3A_787 = arith.constant 0 : i32
      %dma_wait3A_788 = tpu.memref_slice %arg6[%dma_wait3A_774, %dma_wait3A_786, %dma_wait3A_787] : memref<8x50x64xf32, #tpu.memory_space<vmem>> -> memref<1x50x64xf32, #tpu.memory_space<vmem>>
      %dma_wait3A_789 = tpu.memref_squeeze %dma_wait3A_788 : memref<1x50x64xf32, #tpu.memory_space<vmem>> -> memref<50x64xf32, #tpu.memory_space<vmem>>
      tpu.wait_dma2 semaphore(%dma_wait3A_783 : memref<!tpu.dma_semaphore, #tpu.memory_space<semaphore_mem>>) src(%dma_wait3A_789 : memref<50x64xf32, #tpu.memory_space<vmem>>) dst(%dma_wait3A_785 : memref<50x64xf32, #tpu.memory_space<hbm>>)
      %mul3A_790 = arith.constant 8 : i32
      %mul3A_791 = arith.muli %add3A_555, %mul3A_790 : i32
      %add3A_792 = arith.constant 6 : i32
      %add3A_793 = arith.addi %mul3A_791, %add3A_792 : i32
      %dma_start3A_794 = arith.constant 6 : i32
      %dma_start3A_795 = arith.constant 6 : i32
      %dma_start3A_796 = arith.constant 0 : i32
      %dma_start3A_797 = arith.constant 0 : i32
      %dma_start3A_798 = tpu.memref_slice %arg6[%dma_start3A_794, %dma_start3A_796, %dma_start3A_797] : memref<8x50x64xf32, #tpu.memory_space<vmem>> -> memref<1x50x64xf32, #tpu.memory_space<vmem>>
      %dma_start3A_799 = tpu.memref_squeeze %dma_start3A_798 : memref<1x50x64xf32, #tpu.memory_space<vmem>> -> memref<50x64xf32, #tpu.memory_space<vmem>>
      %dma_start3A_800 = arith.constant 0 : i32
      %dma_start3A_801 = tpu.memref_slice %arg5[%add3A_793, %dma_start3A_800] : memref<512x50xi32, #tpu.memory_space<vmem>> -> memref<1x50xi32, #tpu.memory_space<vmem>>
      %dma_start3A_802 = tpu.memref_squeeze %dma_start3A_801 : memref<1x50xi32, #tpu.memory_space<vmem>> -> memref<50xi32, #tpu.memory_space<vmem>>
      %dma_start3A_803 = arith.constant 0 : i32
      %dma_start3A_804 = arith.constant 0 : i32
      %dma_start3A_805 = tpu.memref_slice %arg3[%dma_start3A_803, %dma_start3A_804] : memref<1000000x64xf32, #tpu.memory_space<hbm>> -> memref<1000000x64xf32, #tpu.memory_space<hbm>>
      %dma_start3A_806 = tpu.memref_slice %arg7[%dma_start3A_795] : memref<8x!tpu.dma_semaphore, #tpu.memory_space<semaphore_mem>> -> memref<1x!tpu.dma_semaphore, #tpu.memory_space<semaphore_mem>>
      %dma_start3A_807 = tpu.memref_squeeze %dma_start3A_806 : memref<1x!tpu.dma_semaphore, #tpu.memory_space<semaphore_mem>> -> memref<!tpu.dma_semaphore, #tpu.memory_space<semaphore_mem>>
      tpu.enqueue_indirect_dma source(%dma_start3A_805 : memref<1000000x64xf32, #tpu.memory_space<hbm>>) target(%dma_start3A_799 : memref<50x64xf32, #tpu.memory_space<vmem>>) offsets(%dma_start3A_802 : memref<50xi32, #tpu.memory_space<vmem>>) semaphore(%dma_start3A_807 : memref<!tpu.dma_semaphore, #tpu.memory_space<semaphore_mem>>)
      %mul3A_808 = arith.constant 56 : i32
      %mul3A_809 = arith.muli %mul3A_4, %mul3A_808 : i32
      %dma_wait3A_810 = arith.constant 7 : i32
      %dma_wait3A_811 = arith.constant 7 : i32
      %dma_wait3A_812 = arith.constant 0 : i32
      %dma_wait3A_813 = arith.constant 0 : i32
      %dma_wait3A_814 = tpu.memref_slice %arg6[%dma_wait3A_810, %dma_wait3A_812, %dma_wait3A_813] : memref<8x50x64xf32, #tpu.memory_space<vmem>> -> memref<1x50x64xf32, #tpu.memory_space<vmem>>
      %dma_wait3A_815 = tpu.memref_squeeze %dma_wait3A_814 : memref<1x50x64xf32, #tpu.memory_space<vmem>> -> memref<50x64xf32, #tpu.memory_space<vmem>>
      %dma_wait3A_816 = arith.constant 0 : i32
      %dma_wait3A_817 = tpu.memref_slice %arg4[%mul3A_809, %dma_wait3A_816] : memref<917504x128xf32, #tpu.memory_space<hbm>> -> memref<50x64xf32, #tpu.memory_space<hbm>>
      %dma_wait3A_818 = tpu.memref_slice %arg8[%dma_wait3A_811] : memref<8x!tpu.dma_semaphore, #tpu.memory_space<semaphore_mem>> -> memref<1x!tpu.dma_semaphore, #tpu.memory_space<semaphore_mem>>
      %dma_wait3A_819 = tpu.memref_squeeze %dma_wait3A_818 : memref<1x!tpu.dma_semaphore, #tpu.memory_space<semaphore_mem>> -> memref<!tpu.dma_semaphore, #tpu.memory_space<semaphore_mem>>
      %dma_wait3A_820 = arith.constant 0 : i32
      %dma_wait3A_821 = tpu.memref_slice %arg4[%mul3A_809, %dma_wait3A_820] : memref<917504x128xf32, #tpu.memory_space<hbm>> -> memref<50x64xf32, #tpu.memory_space<hbm>>
      %dma_wait3A_822 = arith.constant 0 : i32
      %dma_wait3A_823 = arith.constant 0 : i32
      %dma_wait3A_824 = tpu.memref_slice %arg6[%dma_wait3A_810, %dma_wait3A_822, %dma_wait3A_823] : memref<8x50x64xf32, #tpu.memory_space<vmem>> -> memref<1x50x64xf32, #tpu.memory_space<vmem>>
      %dma_wait3A_825 = tpu.memref_squeeze %dma_wait3A_824 : memref<1x50x64xf32, #tpu.memory_space<vmem>> -> memref<50x64xf32, #tpu.memory_space<vmem>>
      tpu.wait_dma2 semaphore(%dma_wait3A_819 : memref<!tpu.dma_semaphore, #tpu.memory_space<semaphore_mem>>) src(%dma_wait3A_825 : memref<50x64xf32, #tpu.memory_space<vmem>>) dst(%dma_wait3A_821 : memref<50x64xf32, #tpu.memory_space<hbm>>)
      %mul3A_826 = arith.constant 8 : i32
      %mul3A_827 = arith.muli %add3A_555, %mul3A_826 : i32
      %add3A_828 = arith.constant 7 : i32
      %add3A_829 = arith.addi %mul3A_827, %add3A_828 : i32
      %dma_start3A_830 = arith.constant 7 : i32
      %dma_start3A_831 = arith.constant 7 : i32
      %dma_start3A_832 = arith.constant 0 : i32
      %dma_start3A_833 = arith.constant 0 : i32
      %dma_start3A_834 = tpu.memref_slice %arg6[%dma_start3A_830, %dma_start3A_832, %dma_start3A_833] : memref<8x50x64xf32, #tpu.memory_space<vmem>> -> memref<1x50x64xf32, #tpu.memory_space<vmem>>
      %dma_start3A_835 = tpu.memref_squeeze %dma_start3A_834 : memref<1x50x64xf32, #tpu.memory_space<vmem>> -> memref<50x64xf32, #tpu.memory_space<vmem>>
      %dma_start3A_836 = arith.constant 0 : i32
      %dma_start3A_837 = tpu.memref_slice %arg5[%add3A_829, %dma_start3A_836] : memref<512x50xi32, #tpu.memory_space<vmem>> -> memref<1x50xi32, #tpu.memory_space<vmem>>
      %dma_start3A_838 = tpu.memref_squeeze %dma_start3A_837 : memref<1x50xi32, #tpu.memory_space<vmem>> -> memref<50xi32, #tpu.memory_space<vmem>>
      %dma_start3A_839 = arith.constant 0 : i32
      %dma_start3A_840 = arith.constant 0 : i32
      %dma_start3A_841 = tpu.memref_slice %arg3[%dma_start3A_839, %dma_start3A_840] : memref<1000000x64xf32, #tpu.memory_space<hbm>> -> memref<1000000x64xf32, #tpu.memory_space<hbm>>
      %dma_start3A_842 = tpu.memref_slice %arg7[%dma_start3A_831] : memref<8x!tpu.dma_semaphore, #tpu.memory_space<semaphore_mem>> -> memref<1x!tpu.dma_semaphore, #tpu.memory_space<semaphore_mem>>
      %dma_start3A_843 = tpu.memref_squeeze %dma_start3A_842 : memref<1x!tpu.dma_semaphore, #tpu.memory_space<semaphore_mem>> -> memref<!tpu.dma_semaphore, #tpu.memory_space<semaphore_mem>>
      tpu.enqueue_indirect_dma source(%dma_start3A_841 : memref<1000000x64xf32, #tpu.memory_space<hbm>>) target(%dma_start3A_835 : memref<50x64xf32, #tpu.memory_space<vmem>>) offsets(%dma_start3A_838 : memref<50xi32, #tpu.memory_space<vmem>>) semaphore(%dma_start3A_843 : memref<!tpu.dma_semaphore, #tpu.memory_space<semaphore_mem>>)
      %dma_wait3A_844 = arith.constant 0 : i32
      %dma_wait3A_845 = arith.constant 0 : i32
      %dma_wait3A_846 = arith.constant 0 : i32
      %dma_wait3A_847 = arith.constant 0 : i32
      %dma_wait3A_848 = tpu.memref_slice %arg6[%dma_wait3A_844, %dma_wait3A_846, %dma_wait3A_847] : memref<8x50x64xf32, #tpu.memory_space<vmem>> -> memref<1x50x64xf32, #tpu.memory_space<vmem>>
      %dma_wait3A_849 = tpu.memref_squeeze %dma_wait3A_848 : memref<1x50x64xf32, #tpu.memory_space<vmem>> -> memref<50x64xf32, #tpu.memory_space<vmem>>
      %dma_wait3A_850 = arith.constant 0 : i32
      %dma_wait3A_851 = tpu.memref_slice %arg5[%add3A_577, %dma_wait3A_850] : memref<512x50xi32, #tpu.memory_space<vmem>> -> memref<1x50xi32, #tpu.memory_space<vmem>>
      %dma_wait3A_852 = tpu.memref_squeeze %dma_wait3A_851 : memref<1x50xi32, #tpu.memory_space<vmem>> -> memref<50xi32, #tpu.memory_space<vmem>>
      %dma_wait3A_853 = arith.constant 0 : i32
      %dma_wait3A_854 = arith.constant 0 : i32
      %dma_wait3A_855 = tpu.memref_slice %arg3[%dma_wait3A_853, %dma_wait3A_854] : memref<1000000x64xf32, #tpu.memory_space<hbm>> -> memref<1000000x64xf32, #tpu.memory_space<hbm>>
      %dma_wait3A_856 = tpu.memref_slice %arg7[%dma_wait3A_845] : memref<8x!tpu.dma_semaphore, #tpu.memory_space<semaphore_mem>> -> memref<1x!tpu.dma_semaphore, #tpu.memory_space<semaphore_mem>>
      %dma_wait3A_857 = tpu.memref_squeeze %dma_wait3A_856 : memref<1x!tpu.dma_semaphore, #tpu.memory_space<semaphore_mem>> -> memref<!tpu.dma_semaphore, #tpu.memory_space<semaphore_mem>>
      tpu.wait_indirect_dma semaphore(%dma_wait3A_857 : memref<!tpu.dma_semaphore, #tpu.memory_space<semaphore_mem>>) src(%dma_wait3A_855 : memref<1000000x64xf32, #tpu.memory_space<hbm>>) dst(%dma_wait3A_849 : memref<50x64xf32, #tpu.memory_space<vmem>>)
      %mul3A_858 = arith.constant 8 : i32
      %mul3A_859 = arith.muli %add3A_555, %mul3A_858 : i32
      %add3A_860 = arith.constant 0 : i32
      %add3A_861 = arith.addi %mul3A_859, %add3A_860 : i32
      %add3A_862 = arith.addi %mul3A_4, %add3A_861 : i32
      %mul3A_863 = arith.constant 56 : i32
      %mul3A_864 = arith.muli %add3A_862, %mul3A_863 : i32
      %dma_start3A_865 = arith.constant 0 : i32
      %dma_start3A_866 = arith.constant 0 : i32
      %dma_start3A_867 = arith.constant 0 : i32
      %dma_start3A_868 = arith.constant 0 : i32
      %dma_start3A_869 = tpu.memref_slice %arg6[%dma_start3A_865, %dma_start3A_867, %dma_start3A_868] : memref<8x50x64xf32, #tpu.memory_space<vmem>> -> memref<1x50x64xf32, #tpu.memory_space<vmem>>
      %dma_start3A_870 = tpu.memref_squeeze %dma_start3A_869 : memref<1x50x64xf32, #tpu.memory_space<vmem>> -> memref<50x64xf32, #tpu.memory_space<vmem>>
      %dma_start3A_871 = arith.constant 0 : i32
      %dma_start3A_872 = tpu.memref_slice %arg4[%mul3A_864, %dma_start3A_871] : memref<917504x128xf32, #tpu.memory_space<hbm>> -> memref<50x64xf32, #tpu.memory_space<hbm>>
      %dma_start3A_873 = tpu.memref_slice %arg8[%dma_start3A_866] : memref<8x!tpu.dma_semaphore, #tpu.memory_space<semaphore_mem>> -> memref<1x!tpu.dma_semaphore, #tpu.memory_space<semaphore_mem>>
      %dma_start3A_874 = tpu.memref_squeeze %dma_start3A_873 : memref<1x!tpu.dma_semaphore, #tpu.memory_space<semaphore_mem>> -> memref<!tpu.dma_semaphore, #tpu.memory_space<semaphore_mem>>
      %dma_start3A_875 = arith.constant 0 : i32
      %dma_start3A_876 = tpu.memref_slice %arg4[%mul3A_864, %dma_start3A_875] : memref<917504x128xf32, #tpu.memory_space<hbm>> -> memref<50x64xf32, #tpu.memory_space<hbm>>
      %dma_start3A_877 = arith.constant 0 : i32
      %dma_start3A_878 = arith.constant 0 : i32
      %dma_start3A_879 = tpu.memref_slice %arg6[%dma_start3A_865, %dma_start3A_877, %dma_start3A_878] : memref<8x50x64xf32, #tpu.memory_space<vmem>> -> memref<1x50x64xf32, #tpu.memory_space<vmem>>
      %dma_start3A_880 = tpu.memref_squeeze %dma_start3A_879 : memref<1x50x64xf32, #tpu.memory_space<vmem>> -> memref<50x64xf32, #tpu.memory_space<vmem>>
      tpu.enqueue_dma source(%dma_start3A_880 : memref<50x64xf32, #tpu.memory_space<vmem>>) target(%dma_start3A_876 : memref<50x64xf32, #tpu.memory_space<hbm>>) target_semaphore(%dma_start3A_874 : memref<!tpu.dma_semaphore, #tpu.memory_space<semaphore_mem>>)
      %dma_wait3A_881 = arith.constant 1 : i32
      %dma_wait3A_882 = arith.constant 1 : i32
      %dma_wait3A_883 = arith.constant 0 : i32
      %dma_wait3A_884 = arith.constant 0 : i32
      %dma_wait3A_885 = tpu.memref_slice %arg6[%dma_wait3A_881, %dma_wait3A_883, %dma_wait3A_884] : memref<8x50x64xf32, #tpu.memory_space<vmem>> -> memref<1x50x64xf32, #tpu.memory_space<vmem>>
      %dma_wait3A_886 = tpu.memref_squeeze %dma_wait3A_885 : memref<1x50x64xf32, #tpu.memory_space<vmem>> -> memref<50x64xf32, #tpu.memory_space<vmem>>
      %dma_wait3A_887 = arith.constant 0 : i32
      %dma_wait3A_888 = tpu.memref_slice %arg5[%add3A_613, %dma_wait3A_887] : memref<512x50xi32, #tpu.memory_space<vmem>> -> memref<1x50xi32, #tpu.memory_space<vmem>>
      %dma_wait3A_889 = tpu.memref_squeeze %dma_wait3A_888 : memref<1x50xi32, #tpu.memory_space<vmem>> -> memref<50xi32, #tpu.memory_space<vmem>>
      %dma_wait3A_890 = arith.constant 0 : i32
      %dma_wait3A_891 = arith.constant 0 : i32
      %dma_wait3A_892 = tpu.memref_slice %arg3[%dma_wait3A_890, %dma_wait3A_891] : memref<1000000x64xf32, #tpu.memory_space<hbm>> -> memref<1000000x64xf32, #tpu.memory_space<hbm>>
      %dma_wait3A_893 = tpu.memref_slice %arg7[%dma_wait3A_882] : memref<8x!tpu.dma_semaphore, #tpu.memory_space<semaphore_mem>> -> memref<1x!tpu.dma_semaphore, #tpu.memory_space<semaphore_mem>>
      %dma_wait3A_894 = tpu.memref_squeeze %dma_wait3A_893 : memref<1x!tpu.dma_semaphore, #tpu.memory_space<semaphore_mem>> -> memref<!tpu.dma_semaphore, #tpu.memory_space<semaphore_mem>>
      tpu.wait_indirect_dma semaphore(%dma_wait3A_894 : memref<!tpu.dma_semaphore, #tpu.memory_space<semaphore_mem>>) src(%dma_wait3A_892 : memref<1000000x64xf32, #tpu.memory_space<hbm>>) dst(%dma_wait3A_886 : memref<50x64xf32, #tpu.memory_space<vmem>>)
      %mul3A_895 = arith.constant 8 : i32
      %mul3A_896 = arith.muli %add3A_555, %mul3A_895 : i32
      %add3A_897 = arith.constant 1 : i32
      %add3A_898 = arith.addi %mul3A_896, %add3A_897 : i32
      %add3A_899 = arith.addi %mul3A_4, %add3A_898 : i32
      %mul3A_900 = arith.constant 56 : i32
      %mul3A_901 = arith.muli %add3A_899, %mul3A_900 : i32
      %dma_start3A_902 = arith.constant 1 : i32
      %dma_start3A_903 = arith.constant 1 : i32
      %dma_start3A_904 = arith.constant 0 : i32
      %dma_start3A_905 = arith.constant 0 : i32
      %dma_start3A_906 = tpu.memref_slice %arg6[%dma_start3A_902, %dma_start3A_904, %dma_start3A_905] : memref<8x50x64xf32, #tpu.memory_space<vmem>> -> memref<1x50x64xf32, #tpu.memory_space<vmem>>
      %dma_start3A_907 = tpu.memref_squeeze %dma_start3A_906 : memref<1x50x64xf32, #tpu.memory_space<vmem>> -> memref<50x64xf32, #tpu.memory_space<vmem>>
      %dma_start3A_908 = arith.constant 0 : i32
      %dma_start3A_909 = tpu.memref_slice %arg4[%mul3A_901, %dma_start3A_908] : memref<917504x128xf32, #tpu.memory_space<hbm>> -> memref<50x64xf32, #tpu.memory_space<hbm>>
      %dma_start3A_910 = tpu.memref_slice %arg8[%dma_start3A_903] : memref<8x!tpu.dma_semaphore, #tpu.memory_space<semaphore_mem>> -> memref<1x!tpu.dma_semaphore, #tpu.memory_space<semaphore_mem>>
      %dma_start3A_911 = tpu.memref_squeeze %dma_start3A_910 : memref<1x!tpu.dma_semaphore, #tpu.memory_space<semaphore_mem>> -> memref<!tpu.dma_semaphore, #tpu.memory_space<semaphore_mem>>
      %dma_start3A_912 = arith.constant 0 : i32
      %dma_start3A_913 = tpu.memref_slice %arg4[%mul3A_901, %dma_start3A_912] : memref<917504x128xf32, #tpu.memory_space<hbm>> -> memref<50x64xf32, #tpu.memory_space<hbm>>
      %dma_start3A_914 = arith.constant 0 : i32
      %dma_start3A_915 = arith.constant 0 : i32
      %dma_start3A_916 = tpu.memref_slice %arg6[%dma_start3A_902, %dma_start3A_914, %dma_start3A_915] : memref<8x50x64xf32, #tpu.memory_space<vmem>> -> memref<1x50x64xf32, #tpu.memory_space<vmem>>
      %dma_start3A_917 = tpu.memref_squeeze %dma_start3A_916 : memref<1x50x64xf32, #tpu.memory_space<vmem>> -> memref<50x64xf32, #tpu.memory_space<vmem>>
      tpu.enqueue_dma source(%dma_start3A_917 : memref<50x64xf32, #tpu.memory_space<vmem>>) target(%dma_start3A_913 : memref<50x64xf32, #tpu.memory_space<hbm>>) target_semaphore(%dma_start3A_911 : memref<!tpu.dma_semaphore, #tpu.memory_space<semaphore_mem>>)
      %dma_wait3A_918 = arith.constant 2 : i32
      %dma_wait3A_919 = arith.constant 2 : i32
      %dma_wait3A_920 = arith.constant 0 : i32
      %dma_wait3A_921 = arith.constant 0 : i32
      %dma_wait3A_922 = tpu.memref_slice %arg6[%dma_wait3A_918, %dma_wait3A_920, %dma_wait3A_921] : memref<8x50x64xf32, #tpu.memory_space<vmem>> -> memref<1x50x64xf32, #tpu.memory_space<vmem>>
      %dma_wait3A_923 = tpu.memref_squeeze %dma_wait3A_922 : memref<1x50x64xf32, #tpu.memory_space<vmem>> -> memref<50x64xf32, #tpu.memory_space<vmem>>
      %dma_wait3A_924 = arith.constant 0 : i32
      %dma_wait3A_925 = tpu.memref_slice %arg5[%add3A_649, %dma_wait3A_924] : memref<512x50xi32, #tpu.memory_space<vmem>> -> memref<1x50xi32, #tpu.memory_space<vmem>>
      %dma_wait3A_926 = tpu.memref_squeeze %dma_wait3A_925 : memref<1x50xi32, #tpu.memory_space<vmem>> -> memref<50xi32, #tpu.memory_space<vmem>>
      %dma_wait3A_927 = arith.constant 0 : i32
      %dma_wait3A_928 = arith.constant 0 : i32
      %dma_wait3A_929 = tpu.memref_slice %arg3[%dma_wait3A_927, %dma_wait3A_928] : memref<1000000x64xf32, #tpu.memory_space<hbm>> -> memref<1000000x64xf32, #tpu.memory_space<hbm>>
      %dma_wait3A_930 = tpu.memref_slice %arg7[%dma_wait3A_919] : memref<8x!tpu.dma_semaphore, #tpu.memory_space<semaphore_mem>> -> memref<1x!tpu.dma_semaphore, #tpu.memory_space<semaphore_mem>>
      %dma_wait3A_931 = tpu.memref_squeeze %dma_wait3A_930 : memref<1x!tpu.dma_semaphore, #tpu.memory_space<semaphore_mem>> -> memref<!tpu.dma_semaphore, #tpu.memory_space<semaphore_mem>>
      tpu.wait_indirect_dma semaphore(%dma_wait3A_931 : memref<!tpu.dma_semaphore, #tpu.memory_space<semaphore_mem>>) src(%dma_wait3A_929 : memref<1000000x64xf32, #tpu.memory_space<hbm>>) dst(%dma_wait3A_923 : memref<50x64xf32, #tpu.memory_space<vmem>>)
      %mul3A_932 = arith.constant 8 : i32
      %mul3A_933 = arith.muli %add3A_555, %mul3A_932 : i32
      %add3A_934 = arith.constant 2 : i32
      %add3A_935 = arith.addi %mul3A_933, %add3A_934 : i32
      %add3A_936 = arith.addi %mul3A_4, %add3A_935 : i32
      %mul3A_937 = arith.constant 56 : i32
      %mul3A_938 = arith.muli %add3A_936, %mul3A_937 : i32
      %dma_start3A_939 = arith.constant 2 : i32
      %dma_start3A_940 = arith.constant 2 : i32
      %dma_start3A_941 = arith.constant 0 : i32
      %dma_start3A_942 = arith.constant 0 : i32
      %dma_start3A_943 = tpu.memref_slice %arg6[%dma_start3A_939, %dma_start3A_941, %dma_start3A_942] : memref<8x50x64xf32, #tpu.memory_space<vmem>> -> memref<1x50x64xf32, #tpu.memory_space<vmem>>
      %dma_start3A_944 = tpu.memref_squeeze %dma_start3A_943 : memref<1x50x64xf32, #tpu.memory_space<vmem>> -> memref<50x64xf32, #tpu.memory_space<vmem>>
      %dma_start3A_945 = arith.constant 0 : i32
      %dma_start3A_946 = tpu.memref_slice %arg4[%mul3A_938, %dma_start3A_945] : memref<917504x128xf32, #tpu.memory_space<hbm>> -> memref<50x64xf32, #tpu.memory_space<hbm>>
      %dma_start3A_947 = tpu.memref_slice %arg8[%dma_start3A_940] : memref<8x!tpu.dma_semaphore, #tpu.memory_space<semaphore_mem>> -> memref<1x!tpu.dma_semaphore, #tpu.memory_space<semaphore_mem>>
      %dma_start3A_948 = tpu.memref_squeeze %dma_start3A_947 : memref<1x!tpu.dma_semaphore, #tpu.memory_space<semaphore_mem>> -> memref<!tpu.dma_semaphore, #tpu.memory_space<semaphore_mem>>
      %dma_start3A_949 = arith.constant 0 : i32
      %dma_start3A_950 = tpu.memref_slice %arg4[%mul3A_938, %dma_start3A_949] : memref<917504x128xf32, #tpu.memory_space<hbm>> -> memref<50x64xf32, #tpu.memory_space<hbm>>
      %dma_start3A_951 = arith.constant 0 : i32
      %dma_start3A_952 = arith.constant 0 : i32
      %dma_start3A_953 = tpu.memref_slice %arg6[%dma_start3A_939, %dma_start3A_951, %dma_start3A_952] : memref<8x50x64xf32, #tpu.memory_space<vmem>> -> memref<1x50x64xf32, #tpu.memory_space<vmem>>
      %dma_start3A_954 = tpu.memref_squeeze %dma_start3A_953 : memref<1x50x64xf32, #tpu.memory_space<vmem>> -> memref<50x64xf32, #tpu.memory_space<vmem>>
      tpu.enqueue_dma source(%dma_start3A_954 : memref<50x64xf32, #tpu.memory_space<vmem>>) target(%dma_start3A_950 : memref<50x64xf32, #tpu.memory_space<hbm>>) target_semaphore(%dma_start3A_948 : memref<!tpu.dma_semaphore, #tpu.memory_space<semaphore_mem>>)
      %dma_wait3A_955 = arith.constant 3 : i32
      %dma_wait3A_956 = arith.constant 3 : i32
      %dma_wait3A_957 = arith.constant 0 : i32
      %dma_wait3A_958 = arith.constant 0 : i32
      %dma_wait3A_959 = tpu.memref_slice %arg6[%dma_wait3A_955, %dma_wait3A_957, %dma_wait3A_958] : memref<8x50x64xf32, #tpu.memory_space<vmem>> -> memref<1x50x64xf32, #tpu.memory_space<vmem>>
      %dma_wait3A_960 = tpu.memref_squeeze %dma_wait3A_959 : memref<1x50x64xf32, #tpu.memory_space<vmem>> -> memref<50x64xf32, #tpu.memory_space<vmem>>
      %dma_wait3A_961 = arith.constant 0 : i32
      %dma_wait3A_962 = tpu.memref_slice %arg5[%add3A_685, %dma_wait3A_961] : memref<512x50xi32, #tpu.memory_space<vmem>> -> memref<1x50xi32, #tpu.memory_space<vmem>>
      %dma_wait3A_963 = tpu.memref_squeeze %dma_wait3A_962 : memref<1x50xi32, #tpu.memory_space<vmem>> -> memref<50xi32, #tpu.memory_space<vmem>>
      %dma_wait3A_964 = arith.constant 0 : i32
      %dma_wait3A_965 = arith.constant 0 : i32
      %dma_wait3A_966 = tpu.memref_slice %arg3[%dma_wait3A_964, %dma_wait3A_965] : memref<1000000x64xf32, #tpu.memory_space<hbm>> -> memref<1000000x64xf32, #tpu.memory_space<hbm>>
      %dma_wait3A_967 = tpu.memref_slice %arg7[%dma_wait3A_956] : memref<8x!tpu.dma_semaphore, #tpu.memory_space<semaphore_mem>> -> memref<1x!tpu.dma_semaphore, #tpu.memory_space<semaphore_mem>>
      %dma_wait3A_968 = tpu.memref_squeeze %dma_wait3A_967 : memref<1x!tpu.dma_semaphore, #tpu.memory_space<semaphore_mem>> -> memref<!tpu.dma_semaphore, #tpu.memory_space<semaphore_mem>>
      tpu.wait_indirect_dma semaphore(%dma_wait3A_968 : memref<!tpu.dma_semaphore, #tpu.memory_space<semaphore_mem>>) src(%dma_wait3A_966 : memref<1000000x64xf32, #tpu.memory_space<hbm>>) dst(%dma_wait3A_960 : memref<50x64xf32, #tpu.memory_space<vmem>>)
      %mul3A_969 = arith.constant 8 : i32
      %mul3A_970 = arith.muli %add3A_555, %mul3A_969 : i32
      %add3A_971 = arith.constant 3 : i32
      %add3A_972 = arith.addi %mul3A_970, %add3A_971 : i32
      %add3A_973 = arith.addi %mul3A_4, %add3A_972 : i32
      %mul3A_974 = arith.constant 56 : i32
      %mul3A_975 = arith.muli %add3A_973, %mul3A_974 : i32
      %dma_start3A_976 = arith.constant 3 : i32
      %dma_start3A_977 = arith.constant 3 : i32
      %dma_start3A_978 = arith.constant 0 : i32
      %dma_start3A_979 = arith.constant 0 : i32
      %dma_start3A_980 = tpu.memref_slice %arg6[%dma_start3A_976, %dma_start3A_978, %dma_start3A_979] : memref<8x50x64xf32, #tpu.memory_space<vmem>> -> memref<1x50x64xf32, #tpu.memory_space<vmem>>
      %dma_start3A_981 = tpu.memref_squeeze %dma_start3A_980 : memref<1x50x64xf32, #tpu.memory_space<vmem>> -> memref<50x64xf32, #tpu.memory_space<vmem>>
      %dma_start3A_982 = arith.constant 0 : i32
      %dma_start3A_983 = tpu.memref_slice %arg4[%mul3A_975, %dma_start3A_982] : memref<917504x128xf32, #tpu.memory_space<hbm>> -> memref<50x64xf32, #tpu.memory_space<hbm>>
      %dma_start3A_984 = tpu.memref_slice %arg8[%dma_start3A_977] : memref<8x!tpu.dma_semaphore, #tpu.memory_space<semaphore_mem>> -> memref<1x!tpu.dma_semaphore, #tpu.memory_space<semaphore_mem>>
      %dma_start3A_985 = tpu.memref_squeeze %dma_start3A_984 : memref<1x!tpu.dma_semaphore, #tpu.memory_space<semaphore_mem>> -> memref<!tpu.dma_semaphore, #tpu.memory_space<semaphore_mem>>
      %dma_start3A_986 = arith.constant 0 : i32
      %dma_start3A_987 = tpu.memref_slice %arg4[%mul3A_975, %dma_start3A_986] : memref<917504x128xf32, #tpu.memory_space<hbm>> -> memref<50x64xf32, #tpu.memory_space<hbm>>
      %dma_start3A_988 = arith.constant 0 : i32
      %dma_start3A_989 = arith.constant 0 : i32
      %dma_start3A_990 = tpu.memref_slice %arg6[%dma_start3A_976, %dma_start3A_988, %dma_start3A_989] : memref<8x50x64xf32, #tpu.memory_space<vmem>> -> memref<1x50x64xf32, #tpu.memory_space<vmem>>
      %dma_start3A_991 = tpu.memref_squeeze %dma_start3A_990 : memref<1x50x64xf32, #tpu.memory_space<vmem>> -> memref<50x64xf32, #tpu.memory_space<vmem>>
      tpu.enqueue_dma source(%dma_start3A_991 : memref<50x64xf32, #tpu.memory_space<vmem>>) target(%dma_start3A_987 : memref<50x64xf32, #tpu.memory_space<hbm>>) target_semaphore(%dma_start3A_985 : memref<!tpu.dma_semaphore, #tpu.memory_space<semaphore_mem>>)
      %dma_wait3A_992 = arith.constant 4 : i32
      %dma_wait3A_993 = arith.constant 4 : i32
      %dma_wait3A_994 = arith.constant 0 : i32
      %dma_wait3A_995 = arith.constant 0 : i32
      %dma_wait3A_996 = tpu.memref_slice %arg6[%dma_wait3A_992, %dma_wait3A_994, %dma_wait3A_995] : memref<8x50x64xf32, #tpu.memory_space<vmem>> -> memref<1x50x64xf32, #tpu.memory_space<vmem>>
      %dma_wait3A_997 = tpu.memref_squeeze %dma_wait3A_996 : memref<1x50x64xf32, #tpu.memory_space<vmem>> -> memref<50x64xf32, #tpu.memory_space<vmem>>
      %dma_wait3A_998 = arith.constant 0 : i32
      %dma_wait3A_999 = tpu.memref_slice %arg5[%add3A_721, %dma_wait3A_998] : memref<512x50xi32, #tpu.memory_space<vmem>> -> memref<1x50xi32, #tpu.memory_space<vmem>>
      %dma_wait3A_1000 = tpu.memref_squeeze %dma_wait3A_999 : memref<1x50xi32, #tpu.memory_space<vmem>> -> memref<50xi32, #tpu.memory_space<vmem>>
      %dma_wait3A_1001 = arith.constant 0 : i32
      %dma_wait3A_1002 = arith.constant 0 : i32
      %dma_wait3A_1003 = tpu.memref_slice %arg3[%dma_wait3A_1001, %dma_wait3A_1002] : memref<1000000x64xf32, #tpu.memory_space<hbm>> -> memref<1000000x64xf32, #tpu.memory_space<hbm>>
      %dma_wait3A_1004 = tpu.memref_slice %arg7[%dma_wait3A_993] : memref<8x!tpu.dma_semaphore, #tpu.memory_space<semaphore_mem>> -> memref<1x!tpu.dma_semaphore, #tpu.memory_space<semaphore_mem>>
      %dma_wait3A_1005 = tpu.memref_squeeze %dma_wait3A_1004 : memref<1x!tpu.dma_semaphore, #tpu.memory_space<semaphore_mem>> -> memref<!tpu.dma_semaphore, #tpu.memory_space<semaphore_mem>>
      tpu.wait_indirect_dma semaphore(%dma_wait3A_1005 : memref<!tpu.dma_semaphore, #tpu.memory_space<semaphore_mem>>) src(%dma_wait3A_1003 : memref<1000000x64xf32, #tpu.memory_space<hbm>>) dst(%dma_wait3A_997 : memref<50x64xf32, #tpu.memory_space<vmem>>)
      %mul3A_1006 = arith.constant 8 : i32
      %mul3A_1007 = arith.muli %add3A_555, %mul3A_1006 : i32
      %add3A_1008 = arith.constant 4 : i32
      %add3A_1009 = arith.addi %mul3A_1007, %add3A_1008 : i32
      %add3A_1010 = arith.addi %mul3A_4, %add3A_1009 : i32
      %mul3A_1011 = arith.constant 56 : i32
      %mul3A_1012 = arith.muli %add3A_1010, %mul3A_1011 : i32
      %dma_start3A_1013 = arith.constant 4 : i32
      %dma_start3A_1014 = arith.constant 4 : i32
      %dma_start3A_1015 = arith.constant 0 : i32
      %dma_start3A_1016 = arith.constant 0 : i32
      %dma_start3A_1017 = tpu.memref_slice %arg6[%dma_start3A_1013, %dma_start3A_1015, %dma_start3A_1016] : memref<8x50x64xf32, #tpu.memory_space<vmem>> -> memref<1x50x64xf32, #tpu.memory_space<vmem>>
      %dma_start3A_1018 = tpu.memref_squeeze %dma_start3A_1017 : memref<1x50x64xf32, #tpu.memory_space<vmem>> -> memref<50x64xf32, #tpu.memory_space<vmem>>
      %dma_start3A_1019 = arith.constant 0 : i32
      %dma_start3A_1020 = tpu.memref_slice %arg4[%mul3A_1012, %dma_start3A_1019] : memref<917504x128xf32, #tpu.memory_space<hbm>> -> memref<50x64xf32, #tpu.memory_space<hbm>>
      %dma_start3A_1021 = tpu.memref_slice %arg8[%dma_start3A_1014] : memref<8x!tpu.dma_semaphore, #tpu.memory_space<semaphore_mem>> -> memref<1x!tpu.dma_semaphore, #tpu.memory_space<semaphore_mem>>
      %dma_start3A_1022 = tpu.memref_squeeze %dma_start3A_1021 : memref<1x!tpu.dma_semaphore, #tpu.memory_space<semaphore_mem>> -> memref<!tpu.dma_semaphore, #tpu.memory_space<semaphore_mem>>
      %dma_start3A_1023 = arith.constant 0 : i32
      %dma_start3A_1024 = tpu.memref_slice %arg4[%mul3A_1012, %dma_start3A_1023] : memref<917504x128xf32, #tpu.memory_space<hbm>> -> memref<50x64xf32, #tpu.memory_space<hbm>>
      %dma_start3A_1025 = arith.constant 0 : i32
      %dma_start3A_1026 = arith.constant 0 : i32
      %dma_start3A_1027 = tpu.memref_slice %arg6[%dma_start3A_1013, %dma_start3A_1025, %dma_start3A_1026] : memref<8x50x64xf32, #tpu.memory_space<vmem>> -> memref<1x50x64xf32, #tpu.memory_space<vmem>>
      %dma_start3A_1028 = tpu.memref_squeeze %dma_start3A_1027 : memref<1x50x64xf32, #tpu.memory_space<vmem>> -> memref<50x64xf32, #tpu.memory_space<vmem>>
      tpu.enqueue_dma source(%dma_start3A_1028 : memref<50x64xf32, #tpu.memory_space<vmem>>) target(%dma_start3A_1024 : memref<50x64xf32, #tpu.memory_space<hbm>>) target_semaphore(%dma_start3A_1022 : memref<!tpu.dma_semaphore, #tpu.memory_space<semaphore_mem>>)
      %dma_wait3A_1029 = arith.constant 5 : i32
      %dma_wait3A_1030 = arith.constant 5 : i32
      %dma_wait3A_1031 = arith.constant 0 : i32
      %dma_wait3A_1032 = arith.constant 0 : i32
      %dma_wait3A_1033 = tpu.memref_slice %arg6[%dma_wait3A_1029, %dma_wait3A_1031, %dma_wait3A_1032] : memref<8x50x64xf32, #tpu.memory_space<vmem>> -> memref<1x50x64xf32, #tpu.memory_space<vmem>>
      %dma_wait3A_1034 = tpu.memref_squeeze %dma_wait3A_1033 : memref<1x50x64xf32, #tpu.memory_space<vmem>> -> memref<50x64xf32, #tpu.memory_space<vmem>>
      %dma_wait3A_1035 = arith.constant 0 : i32
      %dma_wait3A_1036 = tpu.memref_slice %arg5[%add3A_757, %dma_wait3A_1035] : memref<512x50xi32, #tpu.memory_space<vmem>> -> memref<1x50xi32, #tpu.memory_space<vmem>>
      %dma_wait3A_1037 = tpu.memref_squeeze %dma_wait3A_1036 : memref<1x50xi32, #tpu.memory_space<vmem>> -> memref<50xi32, #tpu.memory_space<vmem>>
      %dma_wait3A_1038 = arith.constant 0 : i32
      %dma_wait3A_1039 = arith.constant 0 : i32
      %dma_wait3A_1040 = tpu.memref_slice %arg3[%dma_wait3A_1038, %dma_wait3A_1039] : memref<1000000x64xf32, #tpu.memory_space<hbm>> -> memref<1000000x64xf32, #tpu.memory_space<hbm>>
      %dma_wait3A_1041 = tpu.memref_slice %arg7[%dma_wait3A_1030] : memref<8x!tpu.dma_semaphore, #tpu.memory_space<semaphore_mem>> -> memref<1x!tpu.dma_semaphore, #tpu.memory_space<semaphore_mem>>
      %dma_wait3A_1042 = tpu.memref_squeeze %dma_wait3A_1041 : memref<1x!tpu.dma_semaphore, #tpu.memory_space<semaphore_mem>> -> memref<!tpu.dma_semaphore, #tpu.memory_space<semaphore_mem>>
      tpu.wait_indirect_dma semaphore(%dma_wait3A_1042 : memref<!tpu.dma_semaphore, #tpu.memory_space<semaphore_mem>>) src(%dma_wait3A_1040 : memref<1000000x64xf32, #tpu.memory_space<hbm>>) dst(%dma_wait3A_1034 : memref<50x64xf32, #tpu.memory_space<vmem>>)
      %mul3A_1043 = arith.constant 8 : i32
      %mul3A_1044 = arith.muli %add3A_555, %mul3A_1043 : i32
      %add3A_1045 = arith.constant 5 : i32
      %add3A_1046 = arith.addi %mul3A_1044, %add3A_1045 : i32
      %add3A_1047 = arith.addi %mul3A_4, %add3A_1046 : i32
      %mul3A_1048 = arith.constant 56 : i32
      %mul3A_1049 = arith.muli %add3A_1047, %mul3A_1048 : i32
      %dma_start3A_1050 = arith.constant 5 : i32
      %dma_start3A_1051 = arith.constant 5 : i32
      %dma_start3A_1052 = arith.constant 0 : i32
      %dma_start3A_1053 = arith.constant 0 : i32
      %dma_start3A_1054 = tpu.memref_slice %arg6[%dma_start3A_1050, %dma_start3A_1052, %dma_start3A_1053] : memref<8x50x64xf32, #tpu.memory_space<vmem>> -> memref<1x50x64xf32, #tpu.memory_space<vmem>>
      %dma_start3A_1055 = tpu.memref_squeeze %dma_start3A_1054 : memref<1x50x64xf32, #tpu.memory_space<vmem>> -> memref<50x64xf32, #tpu.memory_space<vmem>>
      %dma_start3A_1056 = arith.constant 0 : i32
      %dma_start3A_1057 = tpu.memref_slice %arg4[%mul3A_1049, %dma_start3A_1056] : memref<917504x128xf32, #tpu.memory_space<hbm>> -> memref<50x64xf32, #tpu.memory_space<hbm>>
      %dma_start3A_1058 = tpu.memref_slice %arg8[%dma_start3A_1051] : memref<8x!tpu.dma_semaphore, #tpu.memory_space<semaphore_mem>> -> memref<1x!tpu.dma_semaphore, #tpu.memory_space<semaphore_mem>>
      %dma_start3A_1059 = tpu.memref_squeeze %dma_start3A_1058 : memref<1x!tpu.dma_semaphore, #tpu.memory_space<semaphore_mem>> -> memref<!tpu.dma_semaphore, #tpu.memory_space<semaphore_mem>>
      %dma_start3A_1060 = arith.constant 0 : i32
      %dma_start3A_1061 = tpu.memref_slice %arg4[%mul3A_1049, %dma_start3A_1060] : memref<917504x128xf32, #tpu.memory_space<hbm>> -> memref<50x64xf32, #tpu.memory_space<hbm>>
      %dma_start3A_1062 = arith.constant 0 : i32
      %dma_start3A_1063 = arith.constant 0 : i32
      %dma_start3A_1064 = tpu.memref_slice %arg6[%dma_start3A_1050, %dma_start3A_1062, %dma_start3A_1063] : memref<8x50x64xf32, #tpu.memory_space<vmem>> -> memref<1x50x64xf32, #tpu.memory_space<vmem>>
      %dma_start3A_1065 = tpu.memref_squeeze %dma_start3A_1064 : memref<1x50x64xf32, #tpu.memory_space<vmem>> -> memref<50x64xf32, #tpu.memory_space<vmem>>
      tpu.enqueue_dma source(%dma_start3A_1065 : memref<50x64xf32, #tpu.memory_space<vmem>>) target(%dma_start3A_1061 : memref<50x64xf32, #tpu.memory_space<hbm>>) target_semaphore(%dma_start3A_1059 : memref<!tpu.dma_semaphore, #tpu.memory_space<semaphore_mem>>)
      %dma_wait3A_1066 = arith.constant 6 : i32
      %dma_wait3A_1067 = arith.constant 6 : i32
      %dma_wait3A_1068 = arith.constant 0 : i32
      %dma_wait3A_1069 = arith.constant 0 : i32
      %dma_wait3A_1070 = tpu.memref_slice %arg6[%dma_wait3A_1066, %dma_wait3A_1068, %dma_wait3A_1069] : memref<8x50x64xf32, #tpu.memory_space<vmem>> -> memref<1x50x64xf32, #tpu.memory_space<vmem>>
      %dma_wait3A_1071 = tpu.memref_squeeze %dma_wait3A_1070 : memref<1x50x64xf32, #tpu.memory_space<vmem>> -> memref<50x64xf32, #tpu.memory_space<vmem>>
      %dma_wait3A_1072 = arith.constant 0 : i32
      %dma_wait3A_1073 = tpu.memref_slice %arg5[%add3A_793, %dma_wait3A_1072] : memref<512x50xi32, #tpu.memory_space<vmem>> -> memref<1x50xi32, #tpu.memory_space<vmem>>
      %dma_wait3A_1074 = tpu.memref_squeeze %dma_wait3A_1073 : memref<1x50xi32, #tpu.memory_space<vmem>> -> memref<50xi32, #tpu.memory_space<vmem>>
      %dma_wait3A_1075 = arith.constant 0 : i32
      %dma_wait3A_1076 = arith.constant 0 : i32
      %dma_wait3A_1077 = tpu.memref_slice %arg3[%dma_wait3A_1075, %dma_wait3A_1076] : memref<1000000x64xf32, #tpu.memory_space<hbm>> -> memref<1000000x64xf32, #tpu.memory_space<hbm>>
      %dma_wait3A_1078 = tpu.memref_slice %arg7[%dma_wait3A_1067] : memref<8x!tpu.dma_semaphore, #tpu.memory_space<semaphore_mem>> -> memref<1x!tpu.dma_semaphore, #tpu.memory_space<semaphore_mem>>
      %dma_wait3A_1079 = tpu.memref_squeeze %dma_wait3A_1078 : memref<1x!tpu.dma_semaphore, #tpu.memory_space<semaphore_mem>> -> memref<!tpu.dma_semaphore, #tpu.memory_space<semaphore_mem>>
      tpu.wait_indirect_dma semaphore(%dma_wait3A_1079 : memref<!tpu.dma_semaphore, #tpu.memory_space<semaphore_mem>>) src(%dma_wait3A_1077 : memref<1000000x64xf32, #tpu.memory_space<hbm>>) dst(%dma_wait3A_1071 : memref<50x64xf32, #tpu.memory_space<vmem>>)
      %mul3A_1080 = arith.constant 8 : i32
      %mul3A_1081 = arith.muli %add3A_555, %mul3A_1080 : i32
      %add3A_1082 = arith.constant 6 : i32
      %add3A_1083 = arith.addi %mul3A_1081, %add3A_1082 : i32
      %add3A_1084 = arith.addi %mul3A_4, %add3A_1083 : i32
      %mul3A_1085 = arith.constant 56 : i32
      %mul3A_1086 = arith.muli %add3A_1084, %mul3A_1085 : i32
      %dma_start3A_1087 = arith.constant 6 : i32
      %dma_start3A_1088 = arith.constant 6 : i32
      %dma_start3A_1089 = arith.constant 0 : i32
      %dma_start3A_1090 = arith.constant 0 : i32
      %dma_start3A_1091 = tpu.memref_slice %arg6[%dma_start3A_1087, %dma_start3A_1089, %dma_start3A_1090] : memref<8x50x64xf32, #tpu.memory_space<vmem>> -> memref<1x50x64xf32, #tpu.memory_space<vmem>>
      %dma_start3A_1092 = tpu.memref_squeeze %dma_start3A_1091 : memref<1x50x64xf32, #tpu.memory_space<vmem>> -> memref<50x64xf32, #tpu.memory_space<vmem>>
      %dma_start3A_1093 = arith.constant 0 : i32
      %dma_start3A_1094 = tpu.memref_slice %arg4[%mul3A_1086, %dma_start3A_1093] : memref<917504x128xf32, #tpu.memory_space<hbm>> -> memref<50x64xf32, #tpu.memory_space<hbm>>
      %dma_start3A_1095 = tpu.memref_slice %arg8[%dma_start3A_1088] : memref<8x!tpu.dma_semaphore, #tpu.memory_space<semaphore_mem>> -> memref<1x!tpu.dma_semaphore, #tpu.memory_space<semaphore_mem>>
      %dma_start3A_1096 = tpu.memref_squeeze %dma_start3A_1095 : memref<1x!tpu.dma_semaphore, #tpu.memory_space<semaphore_mem>> -> memref<!tpu.dma_semaphore, #tpu.memory_space<semaphore_mem>>
      %dma_start3A_1097 = arith.constant 0 : i32
      %dma_start3A_1098 = tpu.memref_slice %arg4[%mul3A_1086, %dma_start3A_1097] : memref<917504x128xf32, #tpu.memory_space<hbm>> -> memref<50x64xf32, #tpu.memory_space<hbm>>
      %dma_start3A_1099 = arith.constant 0 : i32
      %dma_start3A_1100 = arith.constant 0 : i32
      %dma_start3A_1101 = tpu.memref_slice %arg6[%dma_start3A_1087, %dma_start3A_1099, %dma_start3A_1100] : memref<8x50x64xf32, #tpu.memory_space<vmem>> -> memref<1x50x64xf32, #tpu.memory_space<vmem>>
      %dma_start3A_1102 = tpu.memref_squeeze %dma_start3A_1101 : memref<1x50x64xf32, #tpu.memory_space<vmem>> -> memref<50x64xf32, #tpu.memory_space<vmem>>
      tpu.enqueue_dma source(%dma_start3A_1102 : memref<50x64xf32, #tpu.memory_space<vmem>>) target(%dma_start3A_1098 : memref<50x64xf32, #tpu.memory_space<hbm>>) target_semaphore(%dma_start3A_1096 : memref<!tpu.dma_semaphore, #tpu.memory_space<semaphore_mem>>)
      %dma_wait3A_1103 = arith.constant 7 : i32
      %dma_wait3A_1104 = arith.constant 7 : i32
      %dma_wait3A_1105 = arith.constant 0 : i32
      %dma_wait3A_1106 = arith.constant 0 : i32
      %dma_wait3A_1107 = tpu.memref_slice %arg6[%dma_wait3A_1103, %dma_wait3A_1105, %dma_wait3A_1106] : memref<8x50x64xf32, #tpu.memory_space<vmem>> -> memref<1x50x64xf32, #tpu.memory_space<vmem>>
      %dma_wait3A_1108 = tpu.memref_squeeze %dma_wait3A_1107 : memref<1x50x64xf32, #tpu.memory_space<vmem>> -> memref<50x64xf32, #tpu.memory_space<vmem>>
      %dma_wait3A_1109 = arith.constant 0 : i32
      %dma_wait3A_1110 = tpu.memref_slice %arg5[%add3A_829, %dma_wait3A_1109] : memref<512x50xi32, #tpu.memory_space<vmem>> -> memref<1x50xi32, #tpu.memory_space<vmem>>
      %dma_wait3A_1111 = tpu.memref_squeeze %dma_wait3A_1110 : memref<1x50xi32, #tpu.memory_space<vmem>> -> memref<50xi32, #tpu.memory_space<vmem>>
      %dma_wait3A_1112 = arith.constant 0 : i32
      %dma_wait3A_1113 = arith.constant 0 : i32
      %dma_wait3A_1114 = tpu.memref_slice %arg3[%dma_wait3A_1112, %dma_wait3A_1113] : memref<1000000x64xf32, #tpu.memory_space<hbm>> -> memref<1000000x64xf32, #tpu.memory_space<hbm>>
      %dma_wait3A_1115 = tpu.memref_slice %arg7[%dma_wait3A_1104] : memref<8x!tpu.dma_semaphore, #tpu.memory_space<semaphore_mem>> -> memref<1x!tpu.dma_semaphore, #tpu.memory_space<semaphore_mem>>
      %dma_wait3A_1116 = tpu.memref_squeeze %dma_wait3A_1115 : memref<1x!tpu.dma_semaphore, #tpu.memory_space<semaphore_mem>> -> memref<!tpu.dma_semaphore, #tpu.memory_space<semaphore_mem>>
      tpu.wait_indirect_dma semaphore(%dma_wait3A_1116 : memref<!tpu.dma_semaphore, #tpu.memory_space<semaphore_mem>>) src(%dma_wait3A_1114 : memref<1000000x64xf32, #tpu.memory_space<hbm>>) dst(%dma_wait3A_1108 : memref<50x64xf32, #tpu.memory_space<vmem>>)
      %mul3A_1117 = arith.constant 8 : i32
      %mul3A_1118 = arith.muli %add3A_555, %mul3A_1117 : i32
      %add3A_1119 = arith.constant 7 : i32
      %add3A_1120 = arith.addi %mul3A_1118, %add3A_1119 : i32
      %add3A_1121 = arith.addi %mul3A_4, %add3A_1120 : i32
      %mul3A_1122 = arith.constant 56 : i32
      %mul3A_1123 = arith.muli %add3A_1121, %mul3A_1122 : i32
      %dma_start3A_1124 = arith.constant 7 : i32
      %dma_start3A_1125 = arith.constant 7 : i32
      %dma_start3A_1126 = arith.constant 0 : i32
      %dma_start3A_1127 = arith.constant 0 : i32
      %dma_start3A_1128 = tpu.memref_slice %arg6[%dma_start3A_1124, %dma_start3A_1126, %dma_start3A_1127] : memref<8x50x64xf32, #tpu.memory_space<vmem>> -> memref<1x50x64xf32, #tpu.memory_space<vmem>>
      %dma_start3A_1129 = tpu.memref_squeeze %dma_start3A_1128 : memref<1x50x64xf32, #tpu.memory_space<vmem>> -> memref<50x64xf32, #tpu.memory_space<vmem>>
      %dma_start3A_1130 = arith.constant 0 : i32
      %dma_start3A_1131 = tpu.memref_slice %arg4[%mul3A_1123, %dma_start3A_1130] : memref<917504x128xf32, #tpu.memory_space<hbm>> -> memref<50x64xf32, #tpu.memory_space<hbm>>
      %dma_start3A_1132 = tpu.memref_slice %arg8[%dma_start3A_1125] : memref<8x!tpu.dma_semaphore, #tpu.memory_space<semaphore_mem>> -> memref<1x!tpu.dma_semaphore, #tpu.memory_space<semaphore_mem>>
      %dma_start3A_1133 = tpu.memref_squeeze %dma_start3A_1132 : memref<1x!tpu.dma_semaphore, #tpu.memory_space<semaphore_mem>> -> memref<!tpu.dma_semaphore, #tpu.memory_space<semaphore_mem>>
      %dma_start3A_1134 = arith.constant 0 : i32
      %dma_start3A_1135 = tpu.memref_slice %arg4[%mul3A_1123, %dma_start3A_1134] : memref<917504x128xf32, #tpu.memory_space<hbm>> -> memref<50x64xf32, #tpu.memory_space<hbm>>
      %dma_start3A_1136 = arith.constant 0 : i32
      %dma_start3A_1137 = arith.constant 0 : i32
      %dma_start3A_1138 = tpu.memref_slice %arg6[%dma_start3A_1124, %dma_start3A_1136, %dma_start3A_1137] : memref<8x50x64xf32, #tpu.memory_space<vmem>> -> memref<1x50x64xf32, #tpu.memory_space<vmem>>
      %dma_start3A_1139 = tpu.memref_squeeze %dma_start3A_1138 : memref<1x50x64xf32, #tpu.memory_space<vmem>> -> memref<50x64xf32, #tpu.memory_space<vmem>>
      tpu.enqueue_dma source(%dma_start3A_1139 : memref<50x64xf32, #tpu.memory_space<vmem>>) target(%dma_start3A_1135 : memref<50x64xf32, #tpu.memory_space<hbm>>) target_semaphore(%dma_start3A_1133 : memref<!tpu.dma_semaphore, #tpu.memory_space<semaphore_mem>>)
    }
    %scan3A_406 = arith.constant 63 : i32
    %mul3A_407 = arith.constant 56 : i32
    %mul3A_408 = arith.muli %mul3A_4, %mul3A_407 : i32
    %dma_wait3A_409 = arith.constant 0 : i32
    %dma_wait3A_410 = arith.constant 0 : i32
    %dma_wait3A_411 = arith.constant 0 : i32
    %dma_wait3A_412 = arith.constant 0 : i32
    %dma_wait3A_413 = tpu.memref_slice %arg6[%dma_wait3A_409, %dma_wait3A_411, %dma_wait3A_412] : memref<8x50x64xf32, #tpu.memory_space<vmem>> -> memref<1x50x64xf32, #tpu.memory_space<vmem>>
    %dma_wait3A_414 = tpu.memref_squeeze %dma_wait3A_413 : memref<1x50x64xf32, #tpu.memory_space<vmem>> -> memref<50x64xf32, #tpu.memory_space<vmem>>
    %dma_wait3A_415 = arith.constant 0 : i32
    %dma_wait3A_416 = tpu.memref_slice %arg4[%mul3A_408, %dma_wait3A_415] : memref<917504x128xf32, #tpu.memory_space<hbm>> -> memref<50x64xf32, #tpu.memory_space<hbm>>
    %dma_wait3A_417 = tpu.memref_slice %arg8[%dma_wait3A_410] : memref<8x!tpu.dma_semaphore, #tpu.memory_space<semaphore_mem>> -> memref<1x!tpu.dma_semaphore, #tpu.memory_space<semaphore_mem>>
    %dma_wait3A_418 = tpu.memref_squeeze %dma_wait3A_417 : memref<1x!tpu.dma_semaphore, #tpu.memory_space<semaphore_mem>> -> memref<!tpu.dma_semaphore, #tpu.memory_space<semaphore_mem>>
    %dma_wait3A_419 = arith.constant 0 : i32
    %dma_wait3A_420 = tpu.memref_slice %arg4[%mul3A_408, %dma_wait3A_419] : memref<917504x128xf32, #tpu.memory_space<hbm>> -> memref<50x64xf32, #tpu.memory_space<hbm>>
    %dma_wait3A_421 = arith.constant 0 : i32
    %dma_wait3A_422 = arith.constant 0 : i32
    %dma_wait3A_423 = tpu.memref_slice %arg6[%dma_wait3A_409, %dma_wait3A_421, %dma_wait3A_422] : memref<8x50x64xf32, #tpu.memory_space<vmem>> -> memref<1x50x64xf32, #tpu.memory_space<vmem>>
    %dma_wait3A_424 = tpu.memref_squeeze %dma_wait3A_423 : memref<1x50x64xf32, #tpu.memory_space<vmem>> -> memref<50x64xf32, #tpu.memory_space<vmem>>
    tpu.wait_dma2 semaphore(%dma_wait3A_418 : memref<!tpu.dma_semaphore, #tpu.memory_space<semaphore_mem>>) src(%dma_wait3A_424 : memref<50x64xf32, #tpu.memory_space<vmem>>) dst(%dma_wait3A_420 : memref<50x64xf32, #tpu.memory_space<hbm>>)
    %mul3A_425 = arith.constant 56 : i32
    %mul3A_426 = arith.muli %mul3A_4, %mul3A_425 : i32
    %dma_wait3A_427 = arith.constant 1 : i32
    %dma_wait3A_428 = arith.constant 1 : i32
    %dma_wait3A_429 = arith.constant 0 : i32
    %dma_wait3A_430 = arith.constant 0 : i32
    %dma_wait3A_431 = tpu.memref_slice %arg6[%dma_wait3A_427, %dma_wait3A_429, %dma_wait3A_430] : memref<8x50x64xf32, #tpu.memory_space<vmem>> -> memref<1x50x64xf32, #tpu.memory_space<vmem>>
    %dma_wait3A_432 = tpu.memref_squeeze %dma_wait3A_431 : memref<1x50x64xf32, #tpu.memory_space<vmem>> -> memref<50x64xf32, #tpu.memory_space<vmem>>
    %dma_wait3A_433 = arith.constant 0 : i32
    %dma_wait3A_434 = tpu.memref_slice %arg4[%mul3A_426, %dma_wait3A_433] : memref<917504x128xf32, #tpu.memory_space<hbm>> -> memref<50x64xf32, #tpu.memory_space<hbm>>
    %dma_wait3A_435 = tpu.memref_slice %arg8[%dma_wait3A_428] : memref<8x!tpu.dma_semaphore, #tpu.memory_space<semaphore_mem>> -> memref<1x!tpu.dma_semaphore, #tpu.memory_space<semaphore_mem>>
    %dma_wait3A_436 = tpu.memref_squeeze %dma_wait3A_435 : memref<1x!tpu.dma_semaphore, #tpu.memory_space<semaphore_mem>> -> memref<!tpu.dma_semaphore, #tpu.memory_space<semaphore_mem>>
    %dma_wait3A_437 = arith.constant 0 : i32
    %dma_wait3A_438 = tpu.memref_slice %arg4[%mul3A_426, %dma_wait3A_437] : memref<917504x128xf32, #tpu.memory_space<hbm>> -> memref<50x64xf32, #tpu.memory_space<hbm>>
    %dma_wait3A_439 = arith.constant 0 : i32
    %dma_wait3A_440 = arith.constant 0 : i32
    %dma_wait3A_441 = tpu.memref_slice %arg6[%dma_wait3A_427, %dma_wait3A_439, %dma_wait3A_440] : memref<8x50x64xf32, #tpu.memory_space<vmem>> -> memref<1x50x64xf32, #tpu.memory_space<vmem>>
    %dma_wait3A_442 = tpu.memref_squeeze %dma_wait3A_441 : memref<1x50x64xf32, #tpu.memory_space<vmem>> -> memref<50x64xf32, #tpu.memory_space<vmem>>
    tpu.wait_dma2 semaphore(%dma_wait3A_436 : memref<!tpu.dma_semaphore, #tpu.memory_space<semaphore_mem>>) src(%dma_wait3A_442 : memref<50x64xf32, #tpu.memory_space<vmem>>) dst(%dma_wait3A_438 : memref<50x64xf32, #tpu.memory_space<hbm>>)
    %mul3A_443 = arith.constant 56 : i32
    %mul3A_444 = arith.muli %mul3A_4, %mul3A_443 : i32
    %dma_wait3A_445 = arith.constant 2 : i32
    %dma_wait3A_446 = arith.constant 2 : i32
    %dma_wait3A_447 = arith.constant 0 : i32
    %dma_wait3A_448 = arith.constant 0 : i32
    %dma_wait3A_449 = tpu.memref_slice %arg6[%dma_wait3A_445, %dma_wait3A_447, %dma_wait3A_448] : memref<8x50x64xf32, #tpu.memory_space<vmem>> -> memref<1x50x64xf32, #tpu.memory_space<vmem>>
    %dma_wait3A_450 = tpu.memref_squeeze %dma_wait3A_449 : memref<1x50x64xf32, #tpu.memory_space<vmem>> -> memref<50x64xf32, #tpu.memory_space<vmem>>
    %dma_wait3A_451 = arith.constant 0 : i32
    %dma_wait3A_452 = tpu.memref_slice %arg4[%mul3A_444, %dma_wait3A_451] : memref<917504x128xf32, #tpu.memory_space<hbm>> -> memref<50x64xf32, #tpu.memory_space<hbm>>
    %dma_wait3A_453 = tpu.memref_slice %arg8[%dma_wait3A_446] : memref<8x!tpu.dma_semaphore, #tpu.memory_space<semaphore_mem>> -> memref<1x!tpu.dma_semaphore, #tpu.memory_space<semaphore_mem>>
    %dma_wait3A_454 = tpu.memref_squeeze %dma_wait3A_453 : memref<1x!tpu.dma_semaphore, #tpu.memory_space<semaphore_mem>> -> memref<!tpu.dma_semaphore, #tpu.memory_space<semaphore_mem>>
    %dma_wait3A_455 = arith.constant 0 : i32
    %dma_wait3A_456 = tpu.memref_slice %arg4[%mul3A_444, %dma_wait3A_455] : memref<917504x128xf32, #tpu.memory_space<hbm>> -> memref<50x64xf32, #tpu.memory_space<hbm>>
    %dma_wait3A_457 = arith.constant 0 : i32
    %dma_wait3A_458 = arith.constant 0 : i32
    %dma_wait3A_459 = tpu.memref_slice %arg6[%dma_wait3A_445, %dma_wait3A_457, %dma_wait3A_458] : memref<8x50x64xf32, #tpu.memory_space<vmem>> -> memref<1x50x64xf32, #tpu.memory_space<vmem>>
    %dma_wait3A_460 = tpu.memref_squeeze %dma_wait3A_459 : memref<1x50x64xf32, #tpu.memory_space<vmem>> -> memref<50x64xf32, #tpu.memory_space<vmem>>
    tpu.wait_dma2 semaphore(%dma_wait3A_454 : memref<!tpu.dma_semaphore, #tpu.memory_space<semaphore_mem>>) src(%dma_wait3A_460 : memref<50x64xf32, #tpu.memory_space<vmem>>) dst(%dma_wait3A_456 : memref<50x64xf32, #tpu.memory_space<hbm>>)
    %mul3A_461 = arith.constant 56 : i32
    %mul3A_462 = arith.muli %mul3A_4, %mul3A_461 : i32
    %dma_wait3A_463 = arith.constant 3 : i32
    %dma_wait3A_464 = arith.constant 3 : i32
    %dma_wait3A_465 = arith.constant 0 : i32
    %dma_wait3A_466 = arith.constant 0 : i32
    %dma_wait3A_467 = tpu.memref_slice %arg6[%dma_wait3A_463, %dma_wait3A_465, %dma_wait3A_466] : memref<8x50x64xf32, #tpu.memory_space<vmem>> -> memref<1x50x64xf32, #tpu.memory_space<vmem>>
    %dma_wait3A_468 = tpu.memref_squeeze %dma_wait3A_467 : memref<1x50x64xf32, #tpu.memory_space<vmem>> -> memref<50x64xf32, #tpu.memory_space<vmem>>
    %dma_wait3A_469 = arith.constant 0 : i32
    %dma_wait3A_470 = tpu.memref_slice %arg4[%mul3A_462, %dma_wait3A_469] : memref<917504x128xf32, #tpu.memory_space<hbm>> -> memref<50x64xf32, #tpu.memory_space<hbm>>
    %dma_wait3A_471 = tpu.memref_slice %arg8[%dma_wait3A_464] : memref<8x!tpu.dma_semaphore, #tpu.memory_space<semaphore_mem>> -> memref<1x!tpu.dma_semaphore, #tpu.memory_space<semaphore_mem>>
    %dma_wait3A_472 = tpu.memref_squeeze %dma_wait3A_471 : memref<1x!tpu.dma_semaphore, #tpu.memory_space<semaphore_mem>> -> memref<!tpu.dma_semaphore, #tpu.memory_space<semaphore_mem>>
    %dma_wait3A_473 = arith.constant 0 : i32
    %dma_wait3A_474 = tpu.memref_slice %arg4[%mul3A_462, %dma_wait3A_473] : memref<917504x128xf32, #tpu.memory_space<hbm>> -> memref<50x64xf32, #tpu.memory_space<hbm>>
    %dma_wait3A_475 = arith.constant 0 : i32
    %dma_wait3A_476 = arith.constant 0 : i32
    %dma_wait3A_477 = tpu.memref_slice %arg6[%dma_wait3A_463, %dma_wait3A_475, %dma_wait3A_476] : memref<8x50x64xf32, #tpu.memory_space<vmem>> -> memref<1x50x64xf32, #tpu.memory_space<vmem>>
    %dma_wait3A_478 = tpu.memref_squeeze %dma_wait3A_477 : memref<1x50x64xf32, #tpu.memory_space<vmem>> -> memref<50x64xf32, #tpu.memory_space<vmem>>
    tpu.wait_dma2 semaphore(%dma_wait3A_472 : memref<!tpu.dma_semaphore, #tpu.memory_space<semaphore_mem>>) src(%dma_wait3A_478 : memref<50x64xf32, #tpu.memory_space<vmem>>) dst(%dma_wait3A_474 : memref<50x64xf32, #tpu.memory_space<hbm>>)
    %mul3A_479 = arith.constant 56 : i32
    %mul3A_480 = arith.muli %mul3A_4, %mul3A_479 : i32
    %dma_wait3A_481 = arith.constant 4 : i32
    %dma_wait3A_482 = arith.constant 4 : i32
    %dma_wait3A_483 = arith.constant 0 : i32
    %dma_wait3A_484 = arith.constant 0 : i32
    %dma_wait3A_485 = tpu.memref_slice %arg6[%dma_wait3A_481, %dma_wait3A_483, %dma_wait3A_484] : memref<8x50x64xf32, #tpu.memory_space<vmem>> -> memref<1x50x64xf32, #tpu.memory_space<vmem>>
    %dma_wait3A_486 = tpu.memref_squeeze %dma_wait3A_485 : memref<1x50x64xf32, #tpu.memory_space<vmem>> -> memref<50x64xf32, #tpu.memory_space<vmem>>
    %dma_wait3A_487 = arith.constant 0 : i32
    %dma_wait3A_488 = tpu.memref_slice %arg4[%mul3A_480, %dma_wait3A_487] : memref<917504x128xf32, #tpu.memory_space<hbm>> -> memref<50x64xf32, #tpu.memory_space<hbm>>
    %dma_wait3A_489 = tpu.memref_slice %arg8[%dma_wait3A_482] : memref<8x!tpu.dma_semaphore, #tpu.memory_space<semaphore_mem>> -> memref<1x!tpu.dma_semaphore, #tpu.memory_space<semaphore_mem>>
    %dma_wait3A_490 = tpu.memref_squeeze %dma_wait3A_489 : memref<1x!tpu.dma_semaphore, #tpu.memory_space<semaphore_mem>> -> memref<!tpu.dma_semaphore, #tpu.memory_space<semaphore_mem>>
    %dma_wait3A_491 = arith.constant 0 : i32
    %dma_wait3A_492 = tpu.memref_slice %arg4[%mul3A_480, %dma_wait3A_491] : memref<917504x128xf32, #tpu.memory_space<hbm>> -> memref<50x64xf32, #tpu.memory_space<hbm>>
    %dma_wait3A_493 = arith.constant 0 : i32
    %dma_wait3A_494 = arith.constant 0 : i32
    %dma_wait3A_495 = tpu.memref_slice %arg6[%dma_wait3A_481, %dma_wait3A_493, %dma_wait3A_494] : memref<8x50x64xf32, #tpu.memory_space<vmem>> -> memref<1x50x64xf32, #tpu.memory_space<vmem>>
    %dma_wait3A_496 = tpu.memref_squeeze %dma_wait3A_495 : memref<1x50x64xf32, #tpu.memory_space<vmem>> -> memref<50x64xf32, #tpu.memory_space<vmem>>
    tpu.wait_dma2 semaphore(%dma_wait3A_490 : memref<!tpu.dma_semaphore, #tpu.memory_space<semaphore_mem>>) src(%dma_wait3A_496 : memref<50x64xf32, #tpu.memory_space<vmem>>) dst(%dma_wait3A_492 : memref<50x64xf32, #tpu.memory_space<hbm>>)
    %mul3A_497 = arith.constant 56 : i32
    %mul3A_498 = arith.muli %mul3A_4, %mul3A_497 : i32
    %dma_wait3A_499 = arith.constant 5 : i32
    %dma_wait3A_500 = arith.constant 5 : i32
    %dma_wait3A_501 = arith.constant 0 : i32
    %dma_wait3A_502 = arith.constant 0 : i32
    %dma_wait3A_503 = tpu.memref_slice %arg6[%dma_wait3A_499, %dma_wait3A_501, %dma_wait3A_502] : memref<8x50x64xf32, #tpu.memory_space<vmem>> -> memref<1x50x64xf32, #tpu.memory_space<vmem>>
    %dma_wait3A_504 = tpu.memref_squeeze %dma_wait3A_503 : memref<1x50x64xf32, #tpu.memory_space<vmem>> -> memref<50x64xf32, #tpu.memory_space<vmem>>
    %dma_wait3A_505 = arith.constant 0 : i32
    %dma_wait3A_506 = tpu.memref_slice %arg4[%mul3A_498, %dma_wait3A_505] : memref<917504x128xf32, #tpu.memory_space<hbm>> -> memref<50x64xf32, #tpu.memory_space<hbm>>
    %dma_wait3A_507 = tpu.memref_slice %arg8[%dma_wait3A_500] : memref<8x!tpu.dma_semaphore, #tpu.memory_space<semaphore_mem>> -> memref<1x!tpu.dma_semaphore, #tpu.memory_space<semaphore_mem>>
    %dma_wait3A_508 = tpu.memref_squeeze %dma_wait3A_507 : memref<1x!tpu.dma_semaphore, #tpu.memory_space<semaphore_mem>> -> memref<!tpu.dma_semaphore, #tpu.memory_space<semaphore_mem>>
    %dma_wait3A_509 = arith.constant 0 : i32
    %dma_wait3A_510 = tpu.memref_slice %arg4[%mul3A_498, %dma_wait3A_509] : memref<917504x128xf32, #tpu.memory_space<hbm>> -> memref<50x64xf32, #tpu.memory_space<hbm>>
    %dma_wait3A_511 = arith.constant 0 : i32
    %dma_wait3A_512 = arith.constant 0 : i32
    %dma_wait3A_513 = tpu.memref_slice %arg6[%dma_wait3A_499, %dma_wait3A_511, %dma_wait3A_512] : memref<8x50x64xf32, #tpu.memory_space<vmem>> -> memref<1x50x64xf32, #tpu.memory_space<vmem>>
    %dma_wait3A_514 = tpu.memref_squeeze %dma_wait3A_513 : memref<1x50x64xf32, #tpu.memory_space<vmem>> -> memref<50x64xf32, #tpu.memory_space<vmem>>
    tpu.wait_dma2 semaphore(%dma_wait3A_508 : memref<!tpu.dma_semaphore, #tpu.memory_space<semaphore_mem>>) src(%dma_wait3A_514 : memref<50x64xf32, #tpu.memory_space<vmem>>) dst(%dma_wait3A_510 : memref<50x64xf32, #tpu.memory_space<hbm>>)
    %mul3A_515 = arith.constant 56 : i32
    %mul3A_516 = arith.muli %mul3A_4, %mul3A_515 : i32
    %dma_wait3A_517 = arith.constant 6 : i32
    %dma_wait3A_518 = arith.constant 6 : i32
    %dma_wait3A_519 = arith.constant 0 : i32
    %dma_wait3A_520 = arith.constant 0 : i32
    %dma_wait3A_521 = tpu.memref_slice %arg6[%dma_wait3A_517, %dma_wait3A_519, %dma_wait3A_520] : memref<8x50x64xf32, #tpu.memory_space<vmem>> -> memref<1x50x64xf32, #tpu.memory_space<vmem>>
    %dma_wait3A_522 = tpu.memref_squeeze %dma_wait3A_521 : memref<1x50x64xf32, #tpu.memory_space<vmem>> -> memref<50x64xf32, #tpu.memory_space<vmem>>
    %dma_wait3A_523 = arith.constant 0 : i32
    %dma_wait3A_524 = tpu.memref_slice %arg4[%mul3A_516, %dma_wait3A_523] : memref<917504x128xf32, #tpu.memory_space<hbm>> -> memref<50x64xf32, #tpu.memory_space<hbm>>
    %dma_wait3A_525 = tpu.memref_slice %arg8[%dma_wait3A_518] : memref<8x!tpu.dma_semaphore, #tpu.memory_space<semaphore_mem>> -> memref<1x!tpu.dma_semaphore, #tpu.memory_space<semaphore_mem>>
    %dma_wait3A_526 = tpu.memref_squeeze %dma_wait3A_525 : memref<1x!tpu.dma_semaphore, #tpu.memory_space<semaphore_mem>> -> memref<!tpu.dma_semaphore, #tpu.memory_space<semaphore_mem>>
    %dma_wait3A_527 = arith.constant 0 : i32
    %dma_wait3A_528 = tpu.memref_slice %arg4[%mul3A_516, %dma_wait3A_527] : memref<917504x128xf32, #tpu.memory_space<hbm>> -> memref<50x64xf32, #tpu.memory_space<hbm>>
    %dma_wait3A_529 = arith.constant 0 : i32
    %dma_wait3A_530 = arith.constant 0 : i32
    %dma_wait3A_531 = tpu.memref_slice %arg6[%dma_wait3A_517, %dma_wait3A_529, %dma_wait3A_530] : memref<8x50x64xf32, #tpu.memory_space<vmem>> -> memref<1x50x64xf32, #tpu.memory_space<vmem>>
    %dma_wait3A_532 = tpu.memref_squeeze %dma_wait3A_531 : memref<1x50x64xf32, #tpu.memory_space<vmem>> -> memref<50x64xf32, #tpu.memory_space<vmem>>
    tpu.wait_dma2 semaphore(%dma_wait3A_526 : memref<!tpu.dma_semaphore, #tpu.memory_space<semaphore_mem>>) src(%dma_wait3A_532 : memref<50x64xf32, #tpu.memory_space<vmem>>) dst(%dma_wait3A_528 : memref<50x64xf32, #tpu.memory_space<hbm>>)
    %mul3A_533 = arith.constant 56 : i32
    %mul3A_534 = arith.muli %mul3A_4, %mul3A_533 : i32
    %dma_wait3A_535 = arith.constant 7 : i32
    %dma_wait3A_536 = arith.constant 7 : i32
    %dma_wait3A_537 = arith.constant 0 : i32
    %dma_wait3A_538 = arith.constant 0 : i32
    %dma_wait3A_539 = tpu.memref_slice %arg6[%dma_wait3A_535, %dma_wait3A_537, %dma_wait3A_538] : memref<8x50x64xf32, #tpu.memory_space<vmem>> -> memref<1x50x64xf32, #tpu.memory_space<vmem>>
    %dma_wait3A_540 = tpu.memref_squeeze %dma_wait3A_539 : memref<1x50x64xf32, #tpu.memory_space<vmem>> -> memref<50x64xf32, #tpu.memory_space<vmem>>
    %dma_wait3A_541 = arith.constant 0 : i32
    %dma_wait3A_542 = tpu.memref_slice %arg4[%mul3A_534, %dma_wait3A_541] : memref<917504x128xf32, #tpu.memory_space<hbm>> -> memref<50x64xf32, #tpu.memory_space<hbm>>
    %dma_wait3A_543 = tpu.memref_slice %arg8[%dma_wait3A_536] : memref<8x!tpu.dma_semaphore, #tpu.memory_space<semaphore_mem>> -> memref<1x!tpu.dma_semaphore, #tpu.memory_space<semaphore_mem>>
    %dma_wait3A_544 = tpu.memref_squeeze %dma_wait3A_543 : memref<1x!tpu.dma_semaphore, #tpu.memory_space<semaphore_mem>> -> memref<!tpu.dma_semaphore, #tpu.memory_space<semaphore_mem>>
    %dma_wait3A_545 = arith.constant 0 : i32
    %dma_wait3A_546 = tpu.memref_slice %arg4[%mul3A_534, %dma_wait3A_545] : memref<917504x128xf32, #tpu.memory_space<hbm>> -> memref<50x64xf32, #tpu.memory_space<hbm>>
    %dma_wait3A_547 = arith.constant 0 : i32
    %dma_wait3A_548 = arith.constant 0 : i32
    %dma_wait3A_549 = tpu.memref_slice %arg6[%dma_wait3A_535, %dma_wait3A_547, %dma_wait3A_548] : memref<8x50x64xf32, #tpu.memory_space<vmem>> -> memref<1x50x64xf32, #tpu.memory_space<vmem>>
    %dma_wait3A_550 = tpu.memref_squeeze %dma_wait3A_549 : memref<1x50x64xf32, #tpu.memory_space<vmem>> -> memref<50x64xf32, #tpu.memory_space<vmem>>
    tpu.wait_dma2 semaphore(%dma_wait3A_544 : memref<!tpu.dma_semaphore, #tpu.memory_space<semaphore_mem>>) src(%dma_wait3A_550 : memref<50x64xf32, #tpu.memory_space<vmem>>) dst(%dma_wait3A_546 : memref<50x64xf32, #tpu.memory_space<hbm>>)
    return
  }
}

</mosaic_0001>

<sc_bundles>
// kernel: _embed.3.cloned.1.call-start
scs
__scs_entry_jumppad:
0x0: {  	(pc) =	sbr.rel $0x88, $3  }
0x1: {  	(tag) =	ssettag $0x0;
	lr =	simm.s32 $0x1  }
0x2: {  	[smem:$0x3F9F] =	sst lr;
	_ =	strace $0xD0000000  }
0x3: {  	_ = 	snop  }
0x4: {  	_ = 	snop  }
0x5: {  	_ = 	snop  }
0x6: {  	_ = 	snop  }
0x7: {  	_ = 	snop  }
__scs_overlays_trampoline_lowered:
0x8: {  	[smem:$0x3FAE] =	sst s0  }
0x9: {  	[smem:$0x3FAF] =	sst s1  }
0xa: {  	[smem:$0x3FB0] =	sst s2  }
0xb: {  	[smem:$0x3FB1] =	sst s3  }
0xc: {  	[smem:$0x3FB2] =	sst s4  }
0xd: {  	[smem:$0x3FB3] =	sst s5  }
0xe: {  	[smem:$0x3FB4] =	sst s6  }
0xf: {  	[smem:$0x3FB5] =	sst s7  }
0x10: {  	[smem:$0x3FB6] =	sst s8  }
0x11: {  	[smem:$0x3FB7] =	sst s9;
	s0 =	simm.s32 @!p0 $0x0  }
0x12: {  	s1 =	sld [smem:$0x3F9D];
	s0 =	simm.s32 @p0 $0x1  }
0x13: {  	[smem:$0x3FB8] =	sst s0;
	s0 =	simm.s32 @!p1 $0x0  }
0x14: {  	s2 =	sld [smem:$0x3F9C];
	s0 =	simm.s32 @p1 $0x1  }
0x15: {  	[smem:$0x3FB9] =	sst s0;
	s0 =	simm.s32 @!p2 $0x0  }
0x16: {  	s3 =	sld [smem:$0x3FDB];
	s0 =	simm.s32 @p2 $0x1  }
0x17: {  	s4 =	simm.s32 $0x1BF5;
	[smem:$0x3FBB] =	sst s0  }
0x18: {  	s0 =	sld [smem:$0x3F9E];
	_ =	swait.ge [sflag:s4], $0x0  }
0x19: {  	s7 =	sld [smem:$0x3F9F]  }
0x1a: {  	s8 =	sadd.s32 $0xFFFFE003, lr  }
0x1b: {  	s9 =	sadd.s32 $0xFFFFFEF7, lr;
	s5 =	simm.s32 $0xFFFFFFFF;
	p2 =	slt.u32 s8, $0xFFFFF086  }
0x1c: {  	p1 =	slt.u32 s9, $0xF7A;
	s5 =	simm.s32 @!p2 $0x0  }
0x1d: {  	s5 =	simm.s32 @p1 $0x1;
	p0 =	seq.s32 s7, s2  }
0x1e: {  	s7 =	smul.u32 @!p0 $0xF7A, s2;
	p2 =	seq.s32 @!p0 s5, $0x0  }
0x1f: {  	s9 =	smul.u32 $0xF7A, s1;
	s8 =	simm.s32 @!p0 $0x1BF5;
	p2 =	por !p2, p0  }
0x20: {  	[sflag:s8] =	ssyncset.s32 @!p0 $0xFFFFF086;
	s6 =	sadd.s32 @!p0 s3, s7;
	s7 =	simm.s32 @!p0 $0x108  }
0x21: {  	s3 =	sadd.s32 s3, s9;
	s6 =	sadd.s32 @!p0 $0x88, s6;
	s7 =	simm.s32 @p2 $0x1082  }
0x22: {  	[simem:s7], [sflag:s8] =	dma.local @!p0 [hbm:s6], $0xF7A  }
0x23: {  	s9 =	sor.u32 $0xD0000000, s2;
	s6 =	simm.s32 $0x108;
	_ =	swait.ge @!p0 [sflag:s8], $0x0  }
0x24: {  	s3 =	sadd.s32 $0x88, s3;
	s6 =	simm.s32 @!p1 $0x1082;
	[sflag:s4] =	ssyncset.s32 $0xFFFFF086  }
0x25: {  	[simem:s6], [sflag:s4] =	dma.local [hbm:s3], $0xF7A  }
0x26: {  	[smem:$0x3F9F] =	sst s1;
	(tag) =	ssettag s2;
	_ =	strace s9  }
0x27: {  	s1 =	sld [smem:$0x3FAF]  }
0x28: {  	s2 =	sld [smem:$0x3FB0]  }
0x29: {  	s4 =	sld [smem:$0x3FB2]  }
0x2a: {  	p0 =	seq.s32 s5, $0x0;
	s5 =	sld [smem:$0x3FB3]  }
0x2b: {  	s6 =	sld [smem:$0x3FB4]  }
0x2c: {  	s7 =	sld [smem:$0x3FB5]  }
0x2d: {  	s3 =	simm.s32 $0x108;
	s8 =	sld [smem:$0x3FB6]  }
0x2e: {  	s3 =	simm.s32 @!p0 $0x1082;
	s9 =	sld [smem:$0x3FB7]  }
0x2f: {  	lr =	sadd.s32 s0, s3;
	s0 =	sld [smem:$0x3FAE]  }
0x30: {  	s3 =	sld [smem:$0x3FB1]  }
0x31: {  	[smem:$0x3FBA] =	sst s10  }
0x32: {  	s10 =	sld [smem:$0x3FB8];
	_ =	sdelay $0x3  }
0x33: {  	p0 =	seq.s32 s10, $0x1;
	s10 =	sld [smem:$0x3FBA];
	_ =	sdelay $0x3  }
0x34: {  	[smem:$0x3FBA] =	sst s10  }
0x35: {  	s10 =	sld [smem:$0x3FB9];
	_ =	sdelay $0x3  }
0x36: {  	p1 =	seq.s32 s10, $0x1;
	s10 =	sld [smem:$0x3FBA];
	_ =	sdelay $0x3  }
0x37: {  	[smem:$0x3FBA] =	sst s10  }
0x38: {  	s10 =	sld [smem:$0x3FBB]  }
0x39: {  	_ = 	snop;
	(pc) =	sbr.ind lr, $3  }
0x3a: {  	_ = 	snop  }
0x3b: {  	_ = 	snop  }
0x3c: {  	p2 =	seq.s32 s10, $0x1;
	s10 =	sld [smem:$0x3FBA]  }
0x3d: {  	_ =	shalt  }
0x3e: {  	_ =	shalt  }
0x3f: {  	_ =	shalt  }
0x40: {  	_ =	shalt  }
0x41: {  	_ =	shalt  }
0x42: {  	_ =	shalt  }
0x43: {  	_ =	shalt  }
0x44: {  	_ =	shalt  }
0x45: {  	_ =	shalt  }
0x46: {  	_ =	shalt  }
0x47: {  	_ =	shalt  }
0x48: {  	_ =	shalt  }
0x49: {  	_ =	shalt  }
0x4a: {  	_ =	shalt  }
0x4b: {  	_ =	shalt  }
0x4c: {  	_ =	shalt  }
0x4d: {  	_ =	shalt  }
0x4e: {  	_ =	shalt  }
0x4f: {  	_ =	shalt  }
0x50: {  	_ =	shalt  }
0x51: {  	_ =	shalt  }
0x52: {  	_ =	shalt  }
0x53: {  	_ =	shalt  }
0x54: {  	_ =	shalt  }
0x55: {  	_ =	shalt  }
0x56: {  	_ =	shalt  }
0x57: {  	_ =	shalt  }
0x58: {  	_ =	shalt  }
0x59: {  	_ =	shalt  }
0x5a: {  	_ =	shalt  }
0x5b: {  	_ =	shalt  }
0x5c: {  	_ =	shalt  }
0x5d: {  	_ =	shalt  }
0x5e: {  	_ =	shalt  }
0x5f: {  	_ =	shalt  }
0x60: {  	_ =	shalt  }
0x61: {  	_ =	shalt  }
0x62: {  	_ =	shalt  }
0x63: {  	_ =	shalt  }
0x64: {  	_ =	shalt  }
0x65: {  	_ =	shalt  }
0x66: {  	_ =	shalt  }
0x67: {  	_ =	shalt  }
0x68: {  	_ =	shalt  }
0x69: {  	_ =	shalt  }
0x6a: {  	_ =	shalt  }
0x6b: {  	_ =	shalt  }
0x6c: {  	_ =	shalt  }
0x6d: {  	_ =	shalt  }
0x6e: {  	_ =	shalt  }
0x6f: {  	_ =	shalt  }
0x70: {  	_ =	shalt  }
0x71: {  	_ =	shalt  }
0x72: {  	_ =	shalt  }
0x73: {  	_ =	shalt  }
0x74: {  	_ =	shalt  }
0x75: {  	_ =	shalt  }
0x76: {  	_ =	shalt  }
0x77: {  	_ =	shalt  }
0x78: {  	_ =	shalt  }
0x79: {  	_ =	shalt  }
0x7a: {  	_ =	shalt  }
0x7b: {  	_ =	shalt  }
0x7c: {  	_ =	shalt  }
0x7d: {  	_ =	shalt  }
0x7e: {  	_ =	shalt  }
0x7f: {  	_ =	shalt  }
0x80: {  	_ =	shalt  }
0x81: {  	_ =	shalt  }
0x82: {  	_ =	shalt  }
0x83: {  	_ =	shalt  }
0x84: {  	_ =	shalt  }
0x85: {  	_ =	shalt  }
0x86: {  	_ =	shalt  }
0x87: {  	_ =	shalt  }
.Lfunc_end0:
.L_simem_size_0:
called_computation_lowered:
.L_overlay_start_0:
0x88: {  	s2 =	sld [smem:$0x3FD9]  }
0x89: {  	s3 =	sld [smem:$0x3FFE];
	_ =	sdelay $0x1  }
0x8a: {  	s1 =	srdreg.scid  }
0x8b: {  	s0 =	sand.u32 $0x1, s1  }
0x8c: {  	s17 =	sshll.u32 s0, $0xA;
	s2 =	sadd.s32 s3, s2  }
0x8d: {  	s2 =	sadd.s32 s2, s17  }
0x8e: {  	[smem:$0x3FC6] =	sst s2  }
0x8f: {  	_ = 	snop  }
0x90: {  	s2 =	sld [smem:$0x3FD0];
	(tm) =	ssettm $0x1  }
0x91: {  	s18 =	sld [smem:$0x3FFB];
	_ =	sdelay $0x3  }
0x92: {  	_ =	strace s18  }
0x93: {  	s3 =	sld [smem:$0x3FFC];
	_ =	sdelay $0x3  }
0x94: {  	_ =	strace s3  }
0x95: {  	s3 =	sld [smem:$0x3FFD];
	_ =	sdelay $0x3  }
0x96: {  	_ =	strace s3  }
0x97: {  	_ =	strace $0x8FFFFFFF  }
0x98: {  	s19 =	sld [smem:$0x3FDB];
	_ =	sdelay $0x1  }
0x99: {  	s4 =	simm.s32 $_scs_section_size  }
0x9a: {  	s5 =	simm.s32 $_size__tile_overlayer_lowered;
	s6 =	simm.s32 $_tile_overlayer_lowered  }
0x9b: {  	s22 =	simm.s32 $0x1BFF;
	s21 =	sshll.u32 s6, $0x1;
	s3 =	sadd.s32 s4, s19  }
0x9c: {  	s7 =	simm.s32 $0x0;
	s20 =	sshll.u32 s5, $0x1;
	s5 =	sadd.s32 s21, s3  }
0x9d: {  	[timem:s7], [sflag:s22] =	dma.local [hbm:s5], s20  }
0x9e: {  	_ =	swait.ge [sflag:s22], s20  }
0x9f: {  	s4 =	ssub.s32 $0x0, s20;
	[sflag:s22] =	ssyncset.done $0x0  }
0xa0: {  	[sflag:s22] =	ssyncadd.s32 s4;
	_ =	sdelay $0x1  }
0xa1: {  	s23 =	simm.s32 $0x1B8B  }
0xa2: {  	_ =	swait.ge [sflag:s23], $0x1  }
0xa3: {  	[sflag:s23] =	ssyncset.done $0x0  }
0xa4: {  	s25 =	simm.s32 $0x1B8E;
	s24 =	sld [smem:$0x3FFE];
	[sflag:s23] =	ssyncadd.s32 $0xFFFFFFFF  }
0xa5: {  	s26 =	simm.s32 $execute0_lowered;
	[smem:$0x3FD2] =	sst s25  }
0xa6: {  	s5 =	sshll.u32 s26, $0x1;
	_ =	strace $0x80000046;
	[dreg:$0x1] =	wrdreg $0xFFFFFFFF  }
0xa7: {  	s28 =	simm.s32 $_size_execute0_lowered;
	s3 =	sadd.s32 s3, s5;
	[dreg:$0x0] =	wrdreg $0x0  }
0xa8: {  	s5 =	sshll.u32 s28, $0x1;
	[dreg:$0x2] =	wrdreg s3  }
0xa9: {  	[dreg:$0x3] =	wrdreg s5  }
0xaa: {  	[dreg:$0x4] =	wrdreg $0xC0  }
0xab: {  	_ =	task [dreg:s7], $0x5FFFF  }
0xac: {  	[dreg:$0x1] =	wrdreg $0xFFFFFFFF  }
0xad: {  	[dreg:$0x0] =	wrdreg $0x60  }
0xae: {  	[dreg:$0x2] =	wrdreg s24  }
0xaf: {  	[dreg:$0x3] =	wrdreg s2  }
0xb0: {  	[dreg:$0x4] =	wrdreg $0x9  }
0xb1: {  	_ =	task.clear_ibuf [dreg:s7], $0x5FFFF;
	_ =	strace $0x90000046  }
0xb2: {  	s29 =	simm.s32 $0x9;
	_ =	strace $0x80000048  }
0xb3: {  	_ =	swait.ge [sflag:s29], $0x1  }
0xb4: {  	[sflag:s29] =	ssyncadd.s32 $0xFFFFFFFF  }
0xb5: {  	_ =	strace $0x90000048  }
0xb6: {  	_ =	sfence  }
0xb7: {  	s30 =	sld [smem:$0x0];
	_ =	sdelay $0x2  }
0xb8: {  	s31 =	sshll.u32 s1, $0xD;
	s1 =	sshrl.u32 s1, $0x2  }
0xb9: {  	s3 =	sand.u32 $0x4000, s31;
	s1 =	sadd.s32 s1, s30  }
0xba: {  	s0 =	sor.u32 s3, s0;
	s1 =	sshll.u32 s1, $0x11  }
0xbb: {  	s0 =	sor.u32 s1, s0  }
0xbc: {  	s0 =	sadd.s32 $0x8F2B, s0  }
0xbd: {  	[sflag:s0] =	ssyncadd.remote.s32 $0x1  }
0xbe: {  	_ =	sfence.sel $0xFFFF  }
0xbf: {  	[dreg:$0x0] =	wrdreg $0xFFFFFFFF;
	(pc) =	sbr.abs _section_cstart, $3  }
0xc0: {  	[dreg:$0x1] =	wrdreg $0xFFFFFFFF  }
0xc1: {  	_ =	task.clear_ibuf [dreg:s7], $0x2FFFF;
	_ =	strace $0x9FFFFFFF  }
0xc2: {  	(tm) =	ssettm $0x7FFFFFFF  }
0xc3: {  	_ =	shalt  }
tec
execute0_lowered:
.L_overlay_start_1:
0x0: {  	(tag) =	ssettag $0x1  }
0x1: {  	s0 =	rddreg [dreg:$0x0]  }
0x2: {  	s1 =	srdreg.scid;
	s8 =	stileid.u32  }
0x3: {  	s2 =	rddreg [dreg:$0x1];
	s4 =	simm.s32 $0x0;
	s28 =	simm.s32 $0x5  }
0x4: {  	s9 =	simm.s32 $0xC;
	s10 =	simm.s32 $0xD;
	s11 =	simm.s32 $0xE  }
0x5: {  	s12 =	simm.s32 $0xF;
	s13 =	simm.s32 $0x10;
	s14 =	simm.s32 $0x0  }
0x6: {  	s29 =	simm.s32 $0x4;
	s31 =	simm.s32 $0x5;
	s30 =	simm.s32 $0xA200  }
0x7: {  	s1 =	sand.u32 $0x1, s1;
	s3 =	sshll.u32 s8, $0x1;
	s18 =	smul.u32 $0xE0000, s8  }
0x8: {  	s3 =	sor.u32 s1, s3;
	s5 =	ssub.s32 $0x2, s1;
	s1 =	smul.u32 $0x70000, s1  }
0x9: {  	[smem:$0x7FF] =	sst s4;
	s8 =	simm.s32 $0xB;
	s7 =	smul.u32 $0x70000, s3  }
0xa: {  	_ =	strace $0x80000047;
	s15 =	smul.u32 $0xE00, s3;
	s6 =	sshrl.u32 s5, $0x1  }
0xb: {  	s3 =	sadd.s32 $0xF42A00, s0;
	s16 =	ssub.s32 s5, s6;
	s17 =	sadd.s32 s2, s7  }
0xc: {  	s4 =	sadd.s32 s15, s0;
	s0 =	smax.u32 s16, $0x1;
	[dreg:$0x4] =	wrdreg s17  }
0xd: {  	s6 =	simm.s32 $0x8;
	s4 =	sadd.s32 $0x600, s4;
	[dreg:$0xc] =	wrdreg s0  }
0xe: {  	s2 =	sadd.s32 s18, s2;
	s19 =	sadd.s32 $0x380, s17;
	[dreg:$0x3] =	wrdreg s4  }
0xf: {  	s16 =	simm.s32 $0x32;
	s20 =	sadd.s32 $0x700, s17;
	[dreg:$0x5] =	wrdreg s19  }
0x10: {  	s15 =	simm.s32 $0x7000;
	s21 =	sadd.s32 $0xA80, s17;
	[dreg:$0x6] =	wrdreg s20  }
0x11: {  	s18 =	simm.s32 $0x40;
	s22 =	sadd.s32 $0xE00, s17;
	[dreg:$0x7] =	wrdreg s21  }
0x12: {  	s7 =	simm.s32 $0xA;
	s23 =	sadd.s32 $0x1180, s17;
	[dreg:$0x8] =	wrdreg s22  }
0x13: {  	s24 =	sadd.s32 $0x1500, s17;
	s1 =	sadd.s32 s1, s2;
	[dreg:$0x9] =	wrdreg s23  }
0x14: {  	s25 =	sadd.s32 $0x1880, s17;
	s17 =	simm.s32 $0x7C80;
	[dreg:$0xa] =	wrdreg s24  }
0x15: {  	s0 =	simm.s32 $0xBB00;
	s2 =	simm.s32 $0x6;
	[dreg:$0xb] =	wrdreg s25  }
0x16: {  	s26 =	sadd.s32 $0x3480, s1;
	s19 =	simm.s32 $0x8900;
	s21 =	simm.s32 $0x9580  }
0x17: {  	s23 =	simm.s32 $0xA200;
	s1 =	simm.s32 $0xAE80;
	s22 =	simm.s32 $0x1  }
0x18: {  	s20 =	simm.s32 $0x80;
	s24 =	simm.s32 $0x2;
	s25 =	simm.s32 $0x3  }
0x19: {  	s4 =	simm.s32 $0x7;
	[dreg:$0xd] =	wrdreg s26;
	s26 =	simm.s32 $0x4  }
.LBB2_1:
0x1a: {  	[dreg:$0xe] =	wrdreg s14  }
0x1b: {  	s5 =	simm.s32 $0x0;
	s14 =	rddreg [dreg:$0x3]  }
0x1c: {  	[tilespmem:s5], [sflag:$0x11] =	stream.linear.gather [hbm4b:s14+s5], $0x7000, $0x38;
	[tilespmem:$0xD400] =	vst v63  }
0x1d: {  	s14 =	simm.s32 $0x11  }
0x1e: {  	_ =	swait.ge [sflag:s14], $0x7000  }
0x1f: {  	[sflag:s14] =	ssyncset.done $0x0  }
0x20: {  	[sflag:s14] =	ssyncadd.s32 $0xFFFF9000  }
0x21: {  	[tilespmem:s15], [sflag:$0x1] =	stream.indirect.gather [hbm4b:s3+s16], $0x40, s5, s16, $0xb8;
	[tilespmem:$0xD400] =	vst v63  }
0x22: {  	s14 =	simm.s32 $0x38  }
0x23: {  	[tilespmem:s17], [sflag:$0x2] =	stream.indirect.gather [hbm4b:s3+s16], $0x40, s14, s16, $0xb8;
	[tilespmem:$0xD400] =	vst v63  }
0x24: {  	s14 =	simm.s32 $0x70  }
0x25: {  	[tilespmem:s19], [sflag:$0x3] =	stream.indirect.gather [hbm4b:s3+s16], $0x40, s14, s16, $0xb8;
	[tilespmem:$0xD400] =	vst v63  }
0x26: {  	s14 =	simm.s32 $0xA8  }
0x27: {  	[tilespmem:s21], [sflag:$0x4] =	stream.indirect.gather [hbm4b:s3+s16], $0x40, s14, s16, $0xb8;
	[tilespmem:$0xD400] =	vst v63  }
0x28: {  	s14 =	simm.s32 $0xE0  }
0x29: {  	[tilespmem:s23], [sflag:$0x5] =	stream.indirect.gather [hbm4b:s3+s16], $0x40, s14, s16, $0xb8;
	[tilespmem:$0xD400] =	vst v63  }
0x2a: {  	s14 =	simm.s32 $0x118  }
0x2b: {  	[tilespmem:s1], [sflag:$0x6] =	stream.indirect.gather [hbm4b:s3+s16], $0x40, s14, s16, $0xb8;
	[tilespmem:$0xD400] =	vst v63  }
0x2c: {  	s14 =	simm.s32 $0x150  }
0x2d: {  	[tilespmem:s0], [sflag:$0x7] =	stream.indirect.gather [hbm4b:s3+s16], $0x40, s14, s16, $0xb8;
	[tilespmem:$0xD400] =	vst v63  }
0x2e: {  	s5 =	simm.s32 $0x188;
	s14 =	simm.s32 $0xC780  }
0x2f: {  	[tilespmem:s14], [sflag:$0x8] =	stream.indirect.gather [hbm4b:s3+s16], $0x40, s5, s16, $0xb8;
	[tilespmem:$0xD400] =	vst v63  }
0x30: {  	_ =	swait.ge [sflag:s22], $0xC80  }
0x31: {  	[sflag:s22] =	ssyncset.done $0x0  }
0x32: {  	s5 =	rddreg [dreg:$0x4];
	[sflag:s22] =	ssyncadd.s32 $0xFFFFF380  }
0x33: {  	[hbm4b:s5+s18] =	stream.strided.scatter [tilespmem:s15], [sflag:$0x9], $0xC80, s20, s18, $0x38;
	[tilespmem:$0xD400] =	vst v63  }
0x34: {  	_ =	swait.ge [sflag:s24], $0xC80  }
0x35: {  	[sflag:s24] =	ssyncset.done $0x0  }
0x36: {  	s5 =	rddreg [dreg:$0x5];
	[sflag:s24] =	ssyncadd.s32 $0xFFFFF380  }
0x37: {  	[hbm4b:s5+s18] =	stream.strided.scatter [tilespmem:s17], [sflag:$0xA], $0xC80, s20, s18, $0x38;
	[tilespmem:$0xD400] =	vst v63  }
0x38: {  	_ =	swait.ge [sflag:s25], $0xC80  }
0x39: {  	[sflag:s25] =	ssyncset.done $0x0  }
0x3a: {  	s5 =	rddreg [dreg:$0x6];
	[sflag:s25] =	ssyncadd.s32 $0xFFFFF380  }
0x3b: {  	[hbm4b:s5+s18] =	stream.strided.scatter [tilespmem:s19], [sflag:$0xB], $0xC80, s20, s18, $0x38;
	[tilespmem:$0xD400] =	vst v63  }
0x3c: {  	_ =	swait.ge [sflag:s26], $0xC80  }
0x3d: {  	[sflag:s26] =	ssyncset.done $0x0  }
0x3e: {  	s5 =	rddreg [dreg:$0x7];
	[sflag:s26] =	ssyncadd.s32 $0xFFFFF380  }
0x3f: {  	[hbm4b:s5+s18] =	stream.strided.scatter [tilespmem:s21], [sflag:$0xC], $0xC80, s20, s18, $0x38;
	[tilespmem:$0xD400] =	vst v63  }
0x40: {  	_ =	swait.ge [sflag:s28], $0xC80  }
0x41: {  	[sflag:s28] =	ssyncset.done $0x0  }
0x42: {  	s5 =	rddreg [dreg:$0x8];
	[sflag:s28] =	ssyncadd.s32 $0xFFFFF380  }
0x43: {  	[hbm4b:s5+s18] =	stream.strided.scatter [tilespmem:s23], [sflag:$0xD], $0xC80, s20, s18, $0x38;
	[tilespmem:$0xD400] =	vst v63  }
0x44: {  	_ =	swait.ge [sflag:s2], $0xC80  }
0x45: {  	[sflag:s2] =	ssyncset.done $0x0  }
0x46: {  	s5 =	rddreg [dreg:$0x9];
	[sflag:s2] =	ssyncadd.s32 $0xFFFFF380  }
0x47: {  	[hbm4b:s5+s18] =	stream.strided.scatter [tilespmem:s1], [sflag:$0xE], $0xC80, s20, s18, $0x38;
	[tilespmem:$0xD400] =	vst v63  }
0x48: {  	_ =	swait.ge [sflag:s4], $0xC80  }
0x49: {  	[sflag:s4] =	ssyncset.done $0x0  }
0x4a: {  	s5 =	rddreg [dreg:$0xa];
	[sflag:s4] =	ssyncadd.s32 $0xFFFFF380  }
0x4b: {  	[hbm4b:s5+s18] =	stream.strided.scatter [tilespmem:s0], [sflag:$0xF], $0xC80, s20, s18, $0x38;
	[tilespmem:$0xD400] =	vst v63  }
0x4c: {  	_ =	swait.ge [sflag:s6], $0xC80  }
0x4d: {  	[sflag:s6] =	ssyncset.done $0x0  }
0x4e: {  	s5 =	rddreg [dreg:$0xb];
	[sflag:s6] =	ssyncadd.s32 $0xFFFFF380  }
0x4f: {  	[hbm4b:s5+s18] =	stream.strided.scatter [tilespmem:s14], [sflag:$0x10], $0xC80, s20, s18, $0x38;
	[tilespmem:$0xD400] =	vst v63  }
0x50: {  	s5 =	simm.s32 $0x9  }
0x51: {  	_ =	swait.ge [sflag:s5], $0xC80  }
0x52: {  	[sflag:s5] =	ssyncset.done $0x0  }
0x53: {  	[sflag:s5] =	ssyncadd.s32 $0xFFFFF380;
	s5 =	simm.s32 $0x1C0  }
0x54: {  	[tilespmem:s15], [sflag:$0x1] =	stream.indirect.gather [hbm4b:s3+s16], $0x40, s5, s16, $0xb8;
	[tilespmem:$0xD400] =	vst v63  }
0x55: {  	_ =	swait.ge [sflag:s7], $0xC80  }
0x56: {  	[sflag:s7] =	ssyncset.done $0x0  }
0x57: {  	s5 =	simm.s32 $0x1F8;
	[sflag:s7] =	ssyncadd.s32 $0xFFFFF380  }
0x58: {  	[tilespmem:s17], [sflag:$0x2] =	stream.indirect.gather [hbm4b:s3+s16], $0x40, s5, s16, $0xb8;
	[tilespmem:$0xD400] =	vst v63  }
0x59: {  	_ =	swait.ge [sflag:s8], $0xC80  }
0x5a: {  	[sflag:s8] =	ssyncset.done $0x0  }
0x5b: {  	s5 =	simm.s32 $0x230;
	[sflag:s8] =	ssyncadd.s32 $0xFFFFF380  }
0x5c: {  	[tilespmem:s19], [sflag:$0x3] =	stream.indirect.gather [hbm4b:s3+s16], $0x40, s5, s16, $0xb8;
	[tilespmem:$0xD400] =	vst v63  }
0x5d: {  	_ =	swait.ge [sflag:s9], $0xC80  }
0x5e: {  	[sflag:s9] =	ssyncset.done $0x0  }
0x5f: {  	s5 =	simm.s32 $0x268;
	[sflag:s9] =	ssyncadd.s32 $0xFFFFF380  }
0x60: {  	[tilespmem:s21], [sflag:$0x4] =	stream.indirect.gather [hbm4b:s3+s16], $0x40, s5, s16, $0xb8;
	[tilespmem:$0xD400] =	vst v63  }
0x61: {  	_ =	swait.ge [sflag:s10], $0xC80  }
0x62: {  	[sflag:s10] =	ssyncset.done $0x0  }
0x63: {  	s5 =	simm.s32 $0x2A0;
	[sflag:s10] =	ssyncadd.s32 $0xFFFFF380  }
0x64: {  	[tilespmem:s23], [sflag:$0x5] =	stream.indirect.gather [hbm4b:s3+s16], $0x40, s5, s16, $0xb8;
	[tilespmem:$0xD400] =	vst v63  }
0x65: {  	_ =	swait.ge [sflag:s11], $0xC80  }
0x66: {  	[sflag:s11] =	ssyncset.done $0x0  }
0x67: {  	s5 =	simm.s32 $0x2D8;
	[sflag:s11] =	ssyncadd.s32 $0xFFFFF380  }
0x68: {  	[tilespmem:s1], [sflag:$0x6] =	stream.indirect.gather [hbm4b:s3+s16], $0x40, s5, s16, $0xb8;
	[tilespmem:$0xD400] =	vst v63  }
0x69: {  	_ =	swait.ge [sflag:s12], $0xC80  }
0x6a: {  	[sflag:s12] =	ssyncset.done $0x0  }
0x6b: {  	s5 =	simm.s32 $0x310;
	[sflag:s12] =	ssyncadd.s32 $0xFFFFF380  }
0x6c: {  	[tilespmem:s0], [sflag:$0x7] =	stream.indirect.gather [hbm4b:s3+s16], $0x40, s5, s16, $0xb8;
	[tilespmem:$0xD400] =	vst v63  }
0x6d: {  	_ =	swait.ge [sflag:s13], $0xC80  }
0x6e: {  	[sflag:s13] =	ssyncset.done $0x0  }
0x6f: {  	s5 =	simm.s32 $0x348;
	[sflag:s13] =	ssyncadd.s32 $0xFFFFF380  }
0x70: {  	[tilespmem:s14], [sflag:$0x8] =	stream.indirect.gather [hbm4b:s3+s16], $0x40, s5, s16, $0xb8;
	[tilespmem:$0xD400] =	vst v63  }
0x71: {  	_ =	swait.ge [sflag:s22], $0xC80  }
0x72: {  	[sflag:s22] =	ssyncset.done $0x0;
	s14 =	rddreg [dreg:$0xd]  }
0x73: {  	[sflag:s22] =	ssyncadd.s32 $0xFFFFF380;
	s22 =	sadd.s32 $0xFFFFE780, s14  }
0x74: {  	[hbm4b:s22+s18] =	stream.strided.scatter [tilespmem:s15], [sflag:$0x9], $0xC80, s20, s18, $0x38;
	[tilespmem:$0xD400] =	vst v63  }
0x75: {  	_ =	swait.ge [sflag:s24], $0xC80  }
0x76: {  	[sflag:s24] =	ssyncset.done $0x0  }
0x77: {  	s15 =	sadd.s32 $0xFFFFEB00, s14;
	[sflag:s24] =	ssyncadd.s32 $0xFFFFF380  }
0x78: {  	[hbm4b:s15+s18] =	stream.strided.scatter [tilespmem:s17], [sflag:$0xA], $0xC80, s20, s18, $0x38;
	[tilespmem:$0xD400] =	vst v63  }
0x79: {  	_ =	swait.ge [sflag:s25], $0xC80  }
0x7a: {  	[sflag:s25] =	ssyncset.done $0x0  }
0x7b: {  	s17 =	sadd.s32 $0xFFFFEE80, s14;
	[sflag:s25] =	ssyncadd.s32 $0xFFFFF380  }
0x7c: {  	[hbm4b:s17+s18] =	stream.strided.scatter [tilespmem:s19], [sflag:$0xB], $0xC80, s20, s18, $0x38;
	[tilespmem:$0xD400] =	vst v63  }
0x7d: {  	_ =	swait.ge [sflag:s26], $0xC80  }
0x7e: {  	[sflag:s26] =	ssyncset.done $0x0  }
0x7f: {  	s22 =	sadd.s32 $0xFFFFF200, s14;
	[sflag:s26] =	ssyncadd.s32 $0xFFFFF380  }
0x80: {  	[hbm4b:s22+s18] =	stream.strided.scatter [tilespmem:s21], [sflag:$0xC], $0xC80, s20, s18, $0x38;
	[tilespmem:$0xD400] =	vst v63  }
0x81: {  	_ =	swait.ge [sflag:s28], $0xC80  }
0x82: {  	[sflag:s28] =	ssyncset.done $0x0  }
0x83: {  	s24 =	sadd.s32 $0xFFFFF580, s14;
	[sflag:s28] =	ssyncadd.s32 $0xFFFFF380  }
0x84: {  	[hbm4b:s24+s18] =	stream.strided.scatter [tilespmem:s23], [sflag:$0xD], $0xC80, s20, s18, $0x38;
	[tilespmem:$0xD400] =	vst v63  }
0x85: {  	_ =	swait.ge [sflag:s2], $0xC80  }
0x86: {  	s5 =	sadd.s32 $0x1C00, s14;
	[sflag:s2] =	ssyncset.done $0x0  }
0x87: {  	s15 =	simm.s32 $0x700;
	s25 =	sadd.s32 $0xFFFFF900, s14;
	[sflag:s2] =	ssyncadd.s32 $0xFFFFF380  }
0x88: {  	[hbm4b:s25+s18] =	stream.strided.scatter [tilespmem:s1], [sflag:$0xE], $0xC80, s20, s18, $0x38;
	[tilespmem:$0xD400] =	vst v63  }
0x89: {  	s26 =	sadd.s32 $0xFFFFFC80, s14;
	s21 =	simm.s32 $0x7000;
	_ =	swait.ge [sflag:s4], $0xC80  }
0x8a: {  	s28 =	simm.s32 $0x9580;
	s24 =	simm.s32 $0x2;
	[sflag:s4] =	ssyncset.done $0x0  }
0x8b: {  	s23 =	simm.s32 $0x7C80;
	s2 =	simm.s32 $0x6;
	[sflag:s4] =	ssyncadd.s32 $0xFFFFF380  }
0x8c: {  	[hbm4b:s26+s18] =	stream.strided.scatter [tilespmem:s0], [sflag:$0xF], $0xC80, s20, s18, $0x38;
	[tilespmem:$0xD400] =	vst v63  }
0x8d: {  	s1 =	simm.s32 $0xAE80;
	s25 =	simm.s32 $0x8900;
	_ =	swait.ge [sflag:s6], $0xC80  }
0x8e: {  	s4 =	simm.s32 $0x7;
	s0 =	simm.s32 $0xBB00;
	[sflag:s6] =	ssyncset.done $0x0  }
0x8f: {  	s26 =	simm.s32 $0x3;
	[sflag:s6] =	ssyncadd.s32 $0xFFFFF380;
	s6 =	simm.s32 $0x8  }
.LBB2_2:
0x90: {  	s22 =	simm.s32 $0xC780  }
0x91: {  	[hbm4b:s14+s18] =	stream.strided.scatter [tilespmem:s22], [sflag:$0x10], $0xC80, s20, s18, $0x38;
	[tilespmem:$0xD400] =	vst v63  }
0x92: {  	s17 =	smov.u32 s15;
	s19 =	simm.s32 $0x9;
	s14 =	smov.u32 s5  }
0x93: {  	p0 =	sne.s32 s15, $0x1B200;
	s15 =	sadd.s32 $0x700, s15;
	_ =	swait.ge [sflag:s19], $0xC80  }
0x94: {  	s17 =	sshra.s32 s17, $0x2;
	[sflag:s19] =	ssyncset.done $0x0  }
0x95: {  	[sflag:s19] =	ssyncadd.s32 $0xFFFFF380;
	s19 =	sadd.s32 $0x1C0, s17  }
0x96: {  	[tilespmem:s21], [sflag:$0x1] =	stream.indirect.gather [hbm4b:s3+s16], $0x40, s19, s16, $0xb8;
	[tilespmem:$0xD400] =	vst v63  }
0x97: {  	_ =	swait.ge [sflag:s7], $0xC80  }
0x98: {  	[sflag:s7] =	ssyncset.done $0x0  }
0x99: {  	s19 =	sadd.s32 $0x1F8, s17;
	[sflag:s7] =	ssyncadd.s32 $0xFFFFF380  }
0x9a: {  	[tilespmem:s23], [sflag:$0x2] =	stream.indirect.gather [hbm4b:s3+s16], $0x40, s19, s16, $0xb8;
	[tilespmem:$0xD400] =	vst v63  }
0x9b: {  	_ =	swait.ge [sflag:s8], $0xC80  }
0x9c: {  	[sflag:s8] =	ssyncset.done $0x0  }
0x9d: {  	s19 =	sadd.s32 $0x230, s17;
	[sflag:s8] =	ssyncadd.s32 $0xFFFFF380  }
0x9e: {  	[tilespmem:s25], [sflag:$0x3] =	stream.indirect.gather [hbm4b:s3+s16], $0x40, s19, s16, $0xb8;
	[tilespmem:$0xD400] =	vst v63  }
0x9f: {  	_ =	swait.ge [sflag:s9], $0xC80  }
0xa0: {  	[sflag:s9] =	ssyncset.done $0x0  }
0xa1: {  	s19 =	sadd.s32 $0x268, s17;
	[sflag:s9] =	ssyncadd.s32 $0xFFFFF380  }
0xa2: {  	[tilespmem:s28], [sflag:$0x4] =	stream.indirect.gather [hbm4b:s3+s16], $0x40, s19, s16, $0xb8;
	[tilespmem:$0xD400] =	vst v63  }
0xa3: {  	_ =	swait.ge [sflag:s10], $0xC80  }
0xa4: {  	[sflag:s10] =	ssyncset.done $0x0  }
0xa5: {  	s19 =	sadd.s32 $0x2A0, s17;
	[sflag:s10] =	ssyncadd.s32 $0xFFFFF380  }
0xa6: {  	[tilespmem:s30], [sflag:$0x5] =	stream.indirect.gather [hbm4b:s3+s16], $0x40, s19, s16, $0xb8;
	[tilespmem:$0xD400] =	vst v63  }
0xa7: {  	_ =	swait.ge [sflag:s11], $0xC80  }
0xa8: {  	[sflag:s11] =	ssyncset.done $0x0  }
0xa9: {  	s19 =	sadd.s32 $0x2D8, s17;
	[sflag:s11] =	ssyncadd.s32 $0xFFFFF380  }
0xaa: {  	[tilespmem:s1], [sflag:$0x6] =	stream.indirect.gather [hbm4b:s3+s16], $0x40, s19, s16, $0xb8;
	[tilespmem:$0xD400] =	vst v63  }
0xab: {  	_ =	swait.ge [sflag:s12], $0xC80  }
0xac: {  	[sflag:s12] =	ssyncset.done $0x0  }
0xad: {  	s19 =	sadd.s32 $0x310, s17;
	[sflag:s12] =	ssyncadd.s32 $0xFFFFF380  }
0xae: {  	[tilespmem:s0], [sflag:$0x7] =	stream.indirect.gather [hbm4b:s3+s16], $0x40, s19, s16, $0xb8;
	[tilespmem:$0xD400] =	vst v63  }
0xaf: {  	_ =	swait.ge [sflag:s13], $0xC80  }
0xb0: {  	[sflag:s13] =	ssyncset.done $0x0  }
0xb1: {  	s17 =	sadd.s32 $0x348, s17;
	[sflag:s13] =	ssyncadd.s32 $0xFFFFF380  }
0xb2: {  	[tilespmem:s22], [sflag:$0x8] =	stream.indirect.gather [hbm4b:s3+s16], $0x40, s17, s16, $0xb8;
	[tilespmem:$0xD400] =	vst v63  }
0xb3: {  	s19 =	simm.s32 $0xC780;
	s22 =	simm.s32 $0x1  }
0xb4: {  	_ =	swait.ge [sflag:s22], $0xC80  }
0xb5: {  	[sflag:s22] =	ssyncset.done $0x0  }
0xb6: {  	s17 =	sadd.s32 $0xFFFFE780, s5;
	[sflag:s22] =	ssyncadd.s32 $0xFFFFF380  }
0xb7: {  	[hbm4b:s17+s18] =	stream.strided.scatter [tilespmem:s21], [sflag:$0x9], $0xC80, s20, s18, $0x38;
	[tilespmem:$0xD400] =	vst v63  }
0xb8: {  	_ =	swait.ge [sflag:s24], $0xC80  }
0xb9: {  	[sflag:s24] =	ssyncset.done $0x0  }
0xba: {  	s17 =	sadd.s32 $0xFFFFEB00, s5;
	[sflag:s24] =	ssyncadd.s32 $0xFFFFF380  }
0xbb: {  	[hbm4b:s17+s18] =	stream.strided.scatter [tilespmem:s23], [sflag:$0xA], $0xC80, s20, s18, $0x38;
	[tilespmem:$0xD400] =	vst v63  }
0xbc: {  	_ =	swait.ge [sflag:s26], $0xC80  }
0xbd: {  	[sflag:s26] =	ssyncset.done $0x0  }
0xbe: {  	s17 =	sadd.s32 $0xFFFFEE80, s5;
	[sflag:s26] =	ssyncadd.s32 $0xFFFFF380  }
0xbf: {  	[hbm4b:s17+s18] =	stream.strided.scatter [tilespmem:s25], [sflag:$0xB], $0xC80, s20, s18, $0x38;
	[tilespmem:$0xD400] =	vst v63  }
0xc0: {  	_ =	swait.ge [sflag:s29], $0xC80  }
0xc1: {  	[sflag:s29] =	ssyncset.done $0x0  }
0xc2: {  	s17 =	sadd.s32 $0xFFFFF200, s5;
	[sflag:s29] =	ssyncadd.s32 $0xFFFFF380  }
0xc3: {  	[hbm4b:s17+s18] =	stream.strided.scatter [tilespmem:s28], [sflag:$0xC], $0xC80, s20, s18, $0x38;
	[tilespmem:$0xD400] =	vst v63  }
0xc4: {  	_ =	swait.ge [sflag:s31], $0xC80  }
0xc5: {  	[sflag:s31] =	ssyncset.done $0x0  }
0xc6: {  	s17 =	sadd.s32 $0xFFFFF580, s5;
	[sflag:s31] =	ssyncadd.s32 $0xFFFFF380  }
0xc7: {  	[hbm4b:s17+s18] =	stream.strided.scatter [tilespmem:s30], [sflag:$0xD], $0xC80, s20, s18, $0x38;
	[tilespmem:$0xD400] =	vst v63  }
0xc8: {  	_ =	swait.ge [sflag:s2], $0xC80  }
0xc9: {  	[sflag:s2] =	ssyncset.done $0x0  }
0xca: {  	s17 =	sadd.s32 $0xFFFFF900, s5;
	[sflag:s2] =	ssyncadd.s32 $0xFFFFF380  }
0xcb: {  	[hbm4b:s17+s18] =	stream.strided.scatter [tilespmem:s1], [sflag:$0xE], $0xC80, s20, s18, $0x38;
	[tilespmem:$0xD400] =	vst v63  }
0xcc: {  	_ =	swait.ge [sflag:s4], $0xC80  }
0xcd: {  	[sflag:s4] =	ssyncset.done $0x0  }
.Ltmp0:
0xce: {  	s17 =	sadd.s32 $0xFFFFFC80, s5;
	[sflag:s4] =	ssyncadd.s32 $0xFFFFF380;
	(pc) =	sbr.rel @p0 .LBB2_2-.Ltmp0, $4  }
0xcf: {  	[hbm4b:s17+s18] =	stream.strided.scatter [tilespmem:s0], [sflag:$0xF], $0xC80, s20, s18, $0x38;
	[tilespmem:$0xD400] =	vst v63  }
0xd0: {  	_ =	swait.ge [sflag:s6], $0xC80  }
0xd1: {  	[sflag:s6] =	ssyncset.done $0x0  }
0xd2: {  	s5 =	sadd.s32 $0x1C00, s5;
	[sflag:s6] =	ssyncadd.s32 $0xFFFFF380  }
0xd3: {  	[hbm4b:s14+s18] =	stream.strided.scatter [tilespmem:s19], [sflag:$0x10], $0xC80, s20, s18, $0x38;
	[tilespmem:$0xD400] =	vst v63  }
0xd4: {  	s0 =	simm.s32 $0x9  }
0xd5: {  	_ =	swait.ge [sflag:s0], $0xC80  }
0xd6: {  	[sflag:s0] =	ssyncset.done $0x0  }
0xd7: {  	[sflag:s0] =	ssyncadd.s32 $0xFFFFF380  }
0xd8: {  	_ =	swait.ge [sflag:s7], $0xC80  }
0xd9: {  	[sflag:s7] =	ssyncset.done $0x0  }
0xda: {  	[sflag:s7] =	ssyncadd.s32 $0xFFFFF380  }
0xdb: {  	_ =	swait.ge [sflag:s8], $0xC80  }
0xdc: {  	[sflag:s8] =	ssyncset.done $0x0  }
0xdd: {  	[sflag:s8] =	ssyncadd.s32 $0xFFFFF380  }
0xde: {  	_ =	swait.ge [sflag:s9], $0xC80  }
0xdf: {  	[sflag:s9] =	ssyncset.done $0x0  }
0xe0: {  	[sflag:s9] =	ssyncadd.s32 $0xFFFFF380  }
0xe1: {  	_ =	swait.ge [sflag:s10], $0xC80  }
0xe2: {  	[sflag:s10] =	ssyncset.done $0x0  }
0xe3: {  	[sflag:s10] =	ssyncadd.s32 $0xFFFFF380  }
0xe4: {  	_ =	swait.ge [sflag:s11], $0xC80  }
0xe5: {  	[sflag:s11] =	ssyncset.done $0x0  }
0xe6: {  	[sflag:s11] =	ssyncadd.s32 $0xFFFFF380  }
0xe7: {  	_ =	swait.ge [sflag:s12], $0xC80  }
0xe8: {  	[sflag:s12] =	ssyncset.done $0x0  }
0xe9: {  	[sflag:s12] =	ssyncadd.s32 $0xFFFFF380  }
0xea: {  	_ =	swait.ge [sflag:s13], $0xC80  }
0xeb: {  	s26 =	rddreg [dreg:$0xe]  }
0xec: {  	s5 =	rddreg [dreg:$0xc];
	s14 =	sadd.s32 $0x1, s26  }
0xed: {  	s15 =	simm.s32 $0x7000;
	s17 =	simm.s32 $0x7C80;
	p0 =	sne.s32 s14, s5  }
.Ltmp1:
0xee: {  	s19 =	simm.s32 $0x8900;
	s21 =	simm.s32 $0x9580;
	(pc) =	sbr.rel @p0 .LBB2_1-.Ltmp1, $4  }
0xef: {  	s23 =	simm.s32 $0xA200;
	s1 =	simm.s32 $0xAE80;
	s24 =	simm.s32 $0x2  }
0xf0: {  	s25 =	simm.s32 $0x3;
	s28 =	simm.s32 $0x5;
	s2 =	simm.s32 $0x6  }
0xf1: {  	s4 =	simm.s32 $0x7;
	s6 =	simm.s32 $0x8;
	[sflag:s13] =	ssyncset.done $0x0  }
0xf2: {  	s0 =	simm.s32 $0xBB00;
	[sflag:s13] =	ssyncadd.s32 $0xFFFFF380;
	s26 =	simm.s32 $0x4  }
0xf3: {  	_ =	sfence.sel $0x180000  }
0xf4: {  	[bflag:$0x0] =	sbarrier.arrive $0xFFFF  }
0xf5: {  	_ =	strace $0x90000047  }
0xf6: {  	s0 =	stileid.u32;
	[bflag:$0x2] =	sbarrier.arrive $0xFFFF  }
0xf7: {  	p0 =	sne.s32 s0, $0x0;
	s0 =	rddreg [dreg:$0x2]  }
0xf8: {  	s0 =	sadd.s32 @!p0 $0x100000, s0  }
0xf9: {  	[sflag:s0] =	ssyncadd.tile.s32 @!p0 $0x1;
	_ =	shalt  }
.Lfunc_end2:
_tile_overlayer_lowered:
.L_overlay_start_2:
0xfa: {  	(tag) =	ssettag $0x2  }
0xfb: {  	s0 =	rddreg [dreg:$0x0];
	s2 =	stileid.u32  }
0xfc: {  	s1 =	rddreg [dreg:$0x1];
	p0 =	sne.s32 s2, $0x0  }
0xfd: {  	s3 =	rddreg [dreg:$0x2];
	[bflag:$0x3] =	sbarrier.arrive $0xFFFF;
	s2 =	simm.s32 @!p0 $0x1C11  }
0xfe: {  	[timem:s3], [sflag:s2] =	dma.local @!p0 [hbm:s0], s1  }
0xff: {  	s0 =	simm.s32 @!p0 $0x11  }
0x100: {  	_ =	swait.ge @!p0 [sflag:s0], s1  }
0x101: {  	s1 =	ssub.s32 @!p0 $0x0, s1;
	[sflag:s0] =	ssyncset.done @!p0 $0x0  }
0x102: {  	[sflag:s0] =	ssyncadd.s32 @!p0 s1  }
0x103: {  	[bflag:$0x3] =	sbarrier.arrive $0xFFFF  }
0x104: {  	_ =	shalt  }

</sc_bundles>
